<compile_context>
chip_gen: v7x
topology: tpu7x:2x2x1
jax: 0.10.2.dev20260603
libtpu: 0.0.44.dev20260713+nightly
codegen_flags: <defaults>
</compile_context>

<pallas_src>
import functools

import jax
import jax.numpy as jnp
from jax.experimental import pallas as pl
from jax.experimental.pallas import tpu as pltpu
from jax.experimental.pallas import tpu_sc as plsc

D = 1024
E = 8
K = 2
H = 4096
M = 512
NB = 23
NRP = NB * M
HB = 512
NH = H // HB


def _ffn_kernel(be_ref, na_ref, xg_ref, gate_ref, up_ref, down_ref, w_ref,
                o_ref, acc_ref):
    b = pl.program_id(0)
    h = pl.program_id(1)

    @pl.when(b < na_ref[0])
    def _():
        xg = xg_ref[...]
        g = jax.lax.dot_general(
            xg, gate_ref[0].astype(jnp.bfloat16), (((1,), (1,)), ((), ())),
            preferred_element_type=jnp.float32)
        u = jax.lax.dot_general(
            xg, up_ref[0].astype(jnp.bfloat16), (((1,), (1,)), ((), ())),
            preferred_element_type=jnp.float32)
        hact = (g * jax.nn.sigmoid(g) * u).astype(jnp.bfloat16)
        yp = jax.lax.dot_general(
            hact, down_ref[0].astype(jnp.bfloat16), (((1,), (1,)), ((), ())),
            preferred_element_type=jnp.float32)

        @pl.when(h == 0)
        def _():
            acc_ref[...] = yp

        @pl.when(h > 0)
        def _():
            acc_ref[...] += yp

        @pl.when(h == NH - 1)
        def _():
            o_ref[...] = jnp.reshape(acc_ref[...] * w_ref[...],
                                     (M * NDT, DT))


def _grouped_ffn(block_expert, nact, xg, gate_W, up_W, down_W, w_col):
    def _row_ix(b, h, be, na):
        return (jnp.where(b < na[0], b, jnp.minimum(na[0], NB - 1)), 0)

    def _gu_ix(b, h, be, na):
        return (be[b], jnp.where(b < na[0], h, 0), 0)

    def _dn_ix(b, h, be, na):
        return (be[b], 0, jnp.where(b < na[0], h, 0))

    grid_spec = pltpu.PrefetchScalarGridSpec(
        num_scalar_prefetch=2,
        grid=(NB, NH),
        in_specs=[
            pl.BlockSpec((M, D), _row_ix),
            pl.BlockSpec((1, HB, D), _gu_ix),
            pl.BlockSpec((1, HB, D), _gu_ix),
            pl.BlockSpec((1, D, HB), _dn_ix),
            pl.BlockSpec((M, 1), _row_ix),
        ],
        out_specs=pl.BlockSpec((M * NDT, DT), _row_ix),
        scratch_shapes=[pltpu.VMEM((M, D), jnp.float32)],
    )
    return pl.pallas_call(
        _ffn_kernel,
        grid_spec=grid_spec,
        out_shape=jax.ShapeDtypeStruct((NRP * NDT, DT), jnp.float32),
    )(block_expert, nact, xg, gate_W, up_W, down_W, w_col)


GW = 128
DT = 128
NDT = D // DT


def _sc_combine(yw, r1, r2, n_tok):
    cid = jnp.arange(NDT, dtype=jnp.int32)[:, None]
    r1c = r1[None, :] * NDT + cid
    r2c = r2[None, :] * NDT + cid
    mesh = plsc.VectorSubcoreMesh(core_axis_name="c", subcore_axis_name="s")

    @functools.partial(
        pl.kernel,
        out_type=jax.ShapeDtypeStruct((n_tok, D), jnp.float32),
        mesh=mesh,
        scratch_types=[pltpu.VMEM((GW, DT), jnp.float32),
                       pltpu.VMEM((GW, DT), jnp.float32),
                       pltpu.SemaphoreType.DMA,
                       pltpu.SemaphoreType.DMA])
    def combine_kernel(ywf_hbm, r1_hbm, r2_hbm, o_hbm, g1, g2, sem1, sem2):
        def body(r1_vmem, r2_vmem, o_vmem):
            c1 = pltpu.async_copy(ywf_hbm.at[r1_vmem.at[0]], g1, sem1)
            c2 = pltpu.async_copy(ywf_hbm.at[r2_vmem.at[0]], g2, sem2)
            c1.wait()
            c2.wait()

            @pl.loop(0, GW)
            def _(i):
                for j in range(0, DT, 16):
                    slc = (pl.ds(i, 1), pl.ds(j, 16))
                    o_vmem.at[slc][...] = g1.at[slc][...] + g2.at[slc][...]

        pltpu.emit_pipeline(
            body,
            grid=(n_tok // GW, NDT),
            in_specs=[pl.BlockSpec((1, GW), lambda i, c: (c, i)),
                      pl.BlockSpec((1, GW), lambda i, c: (c, i))],
            out_specs=[pl.BlockSpec((GW, DT), lambda i, c: (i, c))],
            core_axis_name=("c", "s"),
            dimension_semantics=(pltpu.PARALLEL, pltpu.PARALLEL),
        )(r1_hbm, r2_hbm, o_hbm)

    return combine_kernel(yw, r1c, r2c)


def kernel(x, router_W, gate_W, up_W, down_W):
    Bx, Tx, Dx = x.shape
    N = Bx * Tx
    xf = x.reshape(N, Dx)

    logits = (xf @ router_W.T).astype(jnp.float32)
    idx1 = jnp.argmax(logits, axis=-1).astype(jnp.int32)
    m1 = jnp.max(logits, axis=-1)
    eids = jnp.arange(E, dtype=jnp.int32)
    masked = jnp.where(idx1[:, None] == eids[None, :], -jnp.inf, logits)
    idx2 = jnp.argmax(masked, axis=-1).astype(jnp.int32)
    m2 = jnp.max(masked, axis=-1)
    e2 = jnp.exp(m2 - m1)
    w1 = 1.0 / (1.0 + e2)
    w2 = e2 * w1

    pairs_e = jnp.concatenate([idx1, idx2])
    onehot = (pairs_e[:, None] == eids[None, :]).astype(jnp.int32)
    ranks = jnp.cumsum(onehot, axis=0) - onehot
    rank = jnp.sum(ranks * onehot, axis=1)
    counts = onehot.sum(axis=0)
    blocks = (counts + M - 1) // M
    cum_blocks = jnp.cumsum(blocks)
    padded_start = (cum_blocks - blocks) * M
    dest = padded_start[pairs_e] + rank

    pairs_t = jnp.tile(jnp.arange(N, dtype=jnp.int32), K)
    token_of_row = jnp.zeros((NRP,), jnp.int32).at[dest].set(pairs_t)
    block_expert = jnp.searchsorted(
        cum_blocks, jnp.arange(NB, dtype=jnp.int32), side='right')
    block_expert = jnp.minimum(block_expert, E - 1).astype(jnp.int32)

    nact = cum_blocks[-1:].astype(jnp.int32)
    w_col = jnp.zeros((NRP,), jnp.float32).at[dest].set(
        jnp.concatenate([w1, w2]).astype(jnp.float32)).reshape(NRP, 1)
    xg = xf.astype(jnp.bfloat16)[token_of_row]
    yw = _grouped_ffn(block_expert, nact, xg, gate_W, up_W, down_W, w_col)

    out = _sc_combine(yw, dest[:N], dest[N:], N)
    return out.reshape(Bx, Tx, Dx).astype(x.dtype)

# --- scband reference (transcript-rebuilt; emitter-appended) ---
"""Pipeline reference for scband-mo-emlp-66855460929597 (READ-ONLY COPY).

The authoritative reference and input builder live on the scoring server;
editing this copy changes nothing except your own understanding.
"""

import jax, jax.numpy as jnp
import numpy as np

B, T, D, E, K = 2, 2048, 1024, 8, 2
H = 4 * D

def setup_inputs(seed: int = 0):
    key = jax.random.key(seed)
    ks = jax.random.split(key, 5)
    x = jax.random.normal(ks[0], (B, T, D), dtype=jnp.float32)
    router_W = jax.random.uniform(ks[1], (E, D), minval=-0.05, maxval=0.05, dtype=jnp.float32)
    gate_W = jax.random.normal(ks[2], (E, H, D), dtype=jnp.float32) * 0.02
    up_W = jax.random.normal(ks[3], (E, H, D), dtype=jnp.float32) * 0.02
    down_W = jax.random.normal(ks[4], (E, D, H), dtype=jnp.float32) * 0.02
    return {"x": x, "router_W": router_W, "gate_W": gate_W, "up_W": up_W, "down_W": down_W}

def reference(x, router_W, gate_W, up_W, down_W):
    Bx, Tx, Dx = x.shape
    xf = x.reshape(-1, Dx)
    # router: Linear(n_embd, num_experts, bias=False), logits in float32
    logits = (xf @ router_W.T).astype(jnp.float32)
    # top_k > 1 branch: top_k then softmax over the selected logits
    top_logits, top_idx = jax.lax.top_k(logits, K)
    top_w = jax.nn.softmax(top_logits, axis=-1).astype(x.dtype)
    out = jnp.zeros_like(xf)
    for e in range(E):
        sel_mask = (top_idx == e)
        # per-token routing weight for expert e (zero if not selected)
        w_e = (top_w * sel_mask).sum(axis=-1)
        # expert FFN: down(silu(gate(x)) * up(x)), SwiGLU with hidden = 4*n_embd
        g = xf @ gate_W[e].T
        u = xf @ up_W[e].T
        y = (jax.nn.silu(g) * u) @ down_W[e].T
        # combine: add weighted expert outputs back into residual buffer
        out = out + y * w_e[:, None]
    return out.reshape(Bx, Tx, Dx)

if __name__ == "__main__":
    import jax
    _d = setup_inputs()
    print(jax.jit(kernel)(*tuple(_d.values())))

</pallas_src>

<mosaic_0001>
#map = affine_map<(d0, d1) -> (0, 0)>
module attributes {stable_mosaic.version = 14 : i64} {
  func.func @combine_kernel(%arg0: i32, %arg1: i32, %arg2: memref<94208x128xf32, #tpu.memory_space<hbm>>, %arg3: memref<8x4096xi32, #tpu.memory_space<hbm>>, %arg4: memref<8x4096xi32, #tpu.memory_space<hbm>>, %arg5: memref<4096x1024xf32, #tpu.memory_space<hbm>>, %arg6: memref<128x128xf32, #tpu.memory_space<vmem>>, %arg7: memref<128x128xf32, #tpu.memory_space<vmem>>, %arg8: memref<!tpu.dma_semaphore, #tpu.memory_space<semaphore_mem>>, %arg9: memref<!tpu.dma_semaphore, #tpu.memory_space<semaphore_mem>>) attributes {dimension_semantics = [#tpu.dimension_semantics<core_parallel>, #tpu.dimension_semantics<subcore_parallel>], iteration_bounds = array<i64: 2, 16>, scalar_prefetch = 0 : i64, scratch_operands = 4 : i64, tpu.core_type = #tpu.core_type<sc_vector_subcore>, window_params = [{transform_indices = #map}, {transform_indices = #map}, {transform_indices = #map}, {transform_indices = #map}]} {
    %mul3A = arith.constant 1 : i32
    %mul3A_0 = arith.muli %arg1, %mul3A : i32
    %add3A = arith.constant 0 : i32
    %add3A_1 = arith.addi %add3A, %mul3A_0 : i32
    %mul3A_2 = arith.constant 16 : i32
    %mul3A_3 = arith.muli %arg0, %mul3A_2 : i32
    %add3A_4 = arith.addi %add3A_1, %mul3A_3 : i32
    %mul3A_5 = arith.constant 1 : i32
    %mul3A_6 = arith.muli %add3A_4, %mul3A_5 : i32
    "tpu.region"() ({
      %run_scoped3A = memref.alloca() : memref<2x1x128xi32, #tpu.memory_space<vmem>>
      %run_scoped3A_7 = tpu.sem_alloc : memref<2x!tpu.dma_semaphore, #tpu.memory_space<semaphore_mem>>
      %run_scoped3A_8 = memref.alloca() : memref<2x1x128xi32, #tpu.memory_space<vmem>>
      %run_scoped3A_9 = tpu.sem_alloc : memref<2x!tpu.dma_semaphore, #tpu.memory_space<semaphore_mem>>
      %run_scoped3A_10 = memref.alloca() : memref<2x128x128xf32, #tpu.memory_space<vmem>>
      %run_scoped3A_11 = tpu.sem_alloc : memref<2x!tpu.dma_semaphore, #tpu.memory_space<semaphore_mem>>
      %add3A_12 = arith.constant 0 : i32
      %add3A_13 = arith.addi %add3A_12, %mul3A_6 : i32
      %select_n3A = arith.constant true
      %select_n3A_14 = arith.constant 0 : i32
      %select_n3A_15 = arith.constant -1 : i32
      %select_n3A_16 = arith.select %select_n3A, %select_n3A_15, %select_n3A_14 : i32
      %eq3A = arith.constant -1 : i32
      %eq3A_17 = arith.cmpi eq, %select_n3A_16, %eq3A : i32
      %select_n3A_18 = arith.constant 7 : i32
      %select_n3A_19 = arith.select %eq3A_17, %select_n3A_18, %select_n3A_16 : i32
      %select_n3A_20 = arith.constant 0 : i32
      %select_n3A_21 = arith.constant -1 : i32
      %select_n3A_22 = arith.select %eq3A_17, %select_n3A_21, %select_n3A_20 : i32
      %eq3A_23 = arith.constant -1 : i32
      %eq3A_24 = arith.cmpi eq, %select_n3A_22, %eq3A_23 : i32
      %select_n3A_25 = arith.constant 0 : i32
      %select_n3A_26 = arith.select %eq3A_24, %select_n3A_25, %select_n3A_22 : i32
      %add3A_27 = arith.constant 0 : i32
      %add3A_28 = arith.addi %add3A_27, %mul3A_6 : i32
      %add3A_29 = arith.constant 0 : i32
      %add3A_30 = arith.addi %select_n3A_19, %add3A_29 : i32
      %select_n3A_31 = arith.constant true
      %select_n3A_32 = arith.constant 0 : i32
      %select_n3A_33 = arith.constant 1 : i32
      %select_n3A_34 = arith.select %select_n3A_31, %select_n3A_33, %select_n3A_32 : i32
      %eq3A_35 = arith.constant 8 : i32
      %eq3A_36 = arith.cmpi eq, %select_n3A_34, %eq3A_35 : i32
      %select_n3A_37 = arith.constant 0 : i32
      %select_n3A_38 = arith.select %eq3A_36, %select_n3A_37, %select_n3A_34 : i32
      %select_n3A_39 = arith.constant 0 : i32
      %select_n3A_40 = arith.constant 1 : i32
      %select_n3A_41 = arith.select %eq3A_36, %select_n3A_40, %select_n3A_39 : i32
      %eq3A_42 = arith.constant 1 : i32
      %eq3A_43 = arith.cmpi eq, %select_n3A_41, %eq3A_42 : i32
      %select_n3A_44 = arith.constant 0 : i32
      %select_n3A_45 = arith.select %eq3A_43, %select_n3A_44, %select_n3A_41 : i32
      %add3A_46 = arith.constant 0 : i32
      %add3A_47 = arith.addi %add3A_46, %mul3A_6 : i32
      %add3A_48 = arith.constant 0 : i32
      %add3A_49 = arith.addi %select_n3A_38, %add3A_48 : i32
      %add3A_50 = arith.constant 1 : i32
      %add3A_51 = arith.addi %select_n3A_38, %add3A_50 : i32
      %select_n3A_52 = arith.constant true
      %select_n3A_53 = arith.select %select_n3A_52, %add3A_51, %select_n3A_38 : i32
      %eq3A_54 = arith.constant 8 : i32
      %eq3A_55 = arith.cmpi eq, %select_n3A_53, %eq3A_54 : i32
      %select_n3A_56 = arith.constant 0 : i32
      %select_n3A_57 = arith.select %eq3A_55, %select_n3A_56, %select_n3A_53 : i32
      %select_n3A_58 = arith.constant 0 : i32
      %select_n3A_59 = arith.constant 1 : i32
      %select_n3A_60 = arith.select %eq3A_55, %select_n3A_59, %select_n3A_58 : i32
      %eq3A_61 = arith.constant 1 : i32
      %eq3A_62 = arith.cmpi eq, %select_n3A_60, %eq3A_61 : i32
      %select_n3A_63 = arith.constant 0 : i32
      %select_n3A_64 = arith.select %eq3A_62, %select_n3A_63, %select_n3A_60 : i32
      %add3A_65 = arith.constant 0 : i32
      %add3A_66 = arith.addi %add3A_65, %mul3A_6 : i32
      %add3A_67 = arith.constant 0 : i32
      %add3A_68 = arith.addi %select_n3A_57, %add3A_67 : i32
      "tpu.trace_start"() <{level = 10 : i32, message = "ep_initialize_0"}> : () -> ()
      %rem3A = arith.constant 0 : i32
      %rem3A_69 = arith.constant 2 : i32
      %rem3A_70 = arith.remui %rem3A, %rem3A_69 : i32
      %mul3A_71 = arith.constant 128 : i32
      %mul3A_72 = arith.muli %mul3A_71, %add3A_13 : i32
      %dma_start3A = arith.constant 0 : i32
      %dma_start3A_73 = arith.constant 0 : i32
      %dma_start3A_74 = tpu.memref_slice %run_scoped3A[%rem3A_70, %dma_start3A, %dma_start3A_73] : memref<2x1x128xi32, #tpu.memory_space<vmem>> -> memref<1x1x128xi32, #tpu.memory_space<vmem>>
      %dma_start3A_75 = tpu.memref_squeeze %dma_start3A_74 : memref<1x1x128xi32, #tpu.memory_space<vmem>> -> memref<1x128xi32, #tpu.memory_space<vmem>>
      %dma_start3A_76 = arith.constant 0 : i32
      %dma_start3A_77 = tpu.memref_slice %arg3[%dma_start3A_76, %mul3A_72] : memref<8x4096xi32, #tpu.memory_space<hbm>> -> memref<1x128xi32, #tpu.memory_space<hbm>>
      %dma_start3A_78 = tpu.memref_slice %run_scoped3A_7[%rem3A_70] : memref<2x!tpu.dma_semaphore, #tpu.memory_space<semaphore_mem>> -> memref<1x!tpu.dma_semaphore, #tpu.memory_space<semaphore_mem>>
      %dma_start3A_79 = tpu.memref_squeeze %dma_start3A_78 : memref<1x!tpu.dma_semaphore, #tpu.memory_space<semaphore_mem>> -> memref<!tpu.dma_semaphore, #tpu.memory_space<semaphore_mem>>
      %dma_start3A_80 = arith.constant 0 : i32
      %dma_start3A_81 = arith.constant 0 : i32
      %dma_start3A_82 = tpu.memref_slice %run_scoped3A[%rem3A_70, %dma_start3A_80, %dma_start3A_81] : memref<2x1x128xi32, #tpu.memory_space<vmem>> -> memref<1x1x128xi32, #tpu.memory_space<vmem>>
      %dma_start3A_83 = tpu.memref_squeeze %dma_start3A_82 : memref<1x1x128xi32, #tpu.memory_space<vmem>> -> memref<1x128xi32, #tpu.memory_space<vmem>>
      %dma_start3A_84 = arith.constant 0 : i32
      %dma_start3A_85 = tpu.memref_slice %arg3[%dma_start3A_84, %mul3A_72] : memref<8x4096xi32, #tpu.memory_space<hbm>> -> memref<1x128xi32, #tpu.memory_space<hbm>>
      tpu.enqueue_dma source(%dma_start3A_85 : memref<1x128xi32, #tpu.memory_space<hbm>>) target(%dma_start3A_83 : memref<1x128xi32, #tpu.memory_space<vmem>>) target_semaphore(%dma_start3A_79 : memref<!tpu.dma_semaphore, #tpu.memory_space<semaphore_mem>>)
      %add3A_86 = arith.constant 0 : i32
      %add3A_87 = arith.constant 1 : i32
      %add3A_88 = arith.addi %add3A_86, %add3A_87 : i32
      %select_n3A_89 = arith.constant true
      %select_n3A_90 = arith.constant 0 : i32
      %select_n3A_91 = arith.select %select_n3A_89, %add3A_88, %select_n3A_90 : i32
      %rem3A_92 = arith.constant 0 : i32
      %rem3A_93 = arith.constant 2 : i32
      %rem3A_94 = arith.remui %rem3A_92, %rem3A_93 : i32
      %mul3A_95 = arith.constant 128 : i32
      %mul3A_96 = arith.muli %mul3A_95, %add3A_13 : i32
      %dma_start3A_97 = arith.constant 0 : i32
      %dma_start3A_98 = arith.constant 0 : i32
      %dma_start3A_99 = tpu.memref_slice %run_scoped3A_8[%rem3A_94, %dma_start3A_97, %dma_start3A_98] : memref<2x1x128xi32, #tpu.memory_space<vmem>> -> memref<1x1x128xi32, #tpu.memory_space<vmem>>
      %dma_start3A_100 = tpu.memref_squeeze %dma_start3A_99 : memref<1x1x128xi32, #tpu.memory_space<vmem>> -> memref<1x128xi32, #tpu.memory_space<vmem>>
      %dma_start3A_101 = arith.constant 0 : i32
      %dma_start3A_102 = tpu.memref_slice %arg4[%dma_start3A_101, %mul3A_96] : memref<8x4096xi32, #tpu.memory_space<hbm>> -> memref<1x128xi32, #tpu.memory_space<hbm>>
      %dma_start3A_103 = tpu.memref_slice %run_scoped3A_9[%rem3A_94] : memref<2x!tpu.dma_semaphore, #tpu.memory_space<semaphore_mem>> -> memref<1x!tpu.dma_semaphore, #tpu.memory_space<semaphore_mem>>
      %dma_start3A_104 = tpu.memref_squeeze %dma_start3A_103 : memref<1x!tpu.dma_semaphore, #tpu.memory_space<semaphore_mem>> -> memref<!tpu.dma_semaphore, #tpu.memory_space<semaphore_mem>>
      %dma_start3A_105 = arith.constant 0 : i32
      %dma_start3A_106 = arith.constant 0 : i32
      %dma_start3A_107 = tpu.memref_slice %run_scoped3A_8[%rem3A_94, %dma_start3A_105, %dma_start3A_106] : memref<2x1x128xi32, #tpu.memory_space<vmem>> -> memref<1x1x128xi32, #tpu.memory_space<vmem>>
      %dma_start3A_108 = tpu.memref_squeeze %dma_start3A_107 : memref<1x1x128xi32, #tpu.memory_space<vmem>> -> memref<1x128xi32, #tpu.memory_space<vmem>>
      %dma_start3A_109 = arith.constant 0 : i32
      %dma_start3A_110 = tpu.memref_slice %arg4[%dma_start3A_109, %mul3A_96] : memref<8x4096xi32, #tpu.memory_space<hbm>> -> memref<1x128xi32, #tpu.memory_space<hbm>>
      tpu.enqueue_dma source(%dma_start3A_110 : memref<1x128xi32, #tpu.memory_space<hbm>>) target(%dma_start3A_108 : memref<1x128xi32, #tpu.memory_space<vmem>>) target_semaphore(%dma_start3A_104 : memref<!tpu.dma_semaphore, #tpu.memory_space<semaphore_mem>>)
      %add3A_111 = arith.constant 0 : i32
      %add3A_112 = arith.constant 1 : i32
      %add3A_113 = arith.addi %add3A_111, %add3A_112 : i32
      %select_n3A_114 = arith.constant true
      %select_n3A_115 = arith.constant 0 : i32
      %select_n3A_116 = arith.select %select_n3A_114, %add3A_113, %select_n3A_115 : i32
      "tpu.trace_stop"() : () -> ()
      %scan3A = arith.constant 0 : i32
      %scan3A_117 = arith.constant 0 : i32
      %scan3A_118 = arith.constant 0 : i32
      %scan3A_119 = arith.constant 0 : i32
      %scan3A_120 = arith.constant 0 : i32
      %scan3A_121 = arith.constant 0 : i32
      %scan3A_122 = arith.constant 0 : i32
      %scan3A_123 = arith.constant 8 : i32
      %scan3A_124 = arith.addi %scan3A_122, %scan3A_123 : i32
      %scan3A_125 = arith.constant 1 : i32
      %scan3A_126:8 = scf.for %scan3A_220 = %scan3A_122 to %scan3A_124 step %scan3A_125 iter_args(%scan3A_221 = %select_n3A_91, %scan3A_222 = %scan3A, %scan3A_223 = %select_n3A_116, %scan3A_224 = %scan3A_117, %scan3A_225 = %scan3A_118, %scan3A_226 = %scan3A_119, %scan3A_227 = %scan3A_120, %scan3A_228 = %scan3A_121) -> (i32, i32, i32, i32, i32, i32, i32, i32)  : i32 {
        %eq3A_229 = arith.constant 0 : i32
        %eq3A_230 = arith.cmpi eq, %scan3A_220, %eq3A_229 : i32
        %eq3A_231 = arith.constant 7 : i32
        %eq3A_232 = arith.cmpi eq, %scan3A_220, %eq3A_231 : i32
        %add3A_233 = arith.constant 0 : i32
        %add3A_234 = arith.addi %add3A_233, %mul3A_6 : i32
        %add3A_235 = arith.constant 0 : i32
        %add3A_236 = arith.addi %scan3A_228, %add3A_235 : i32
        %sub3A_237 = arith.constant 1 : i32
        %sub3A_238 = arith.subi %scan3A_228, %sub3A_237 : i32
        %select_n3A_239 = arith.constant true
        %select_n3A_240 = arith.select %select_n3A_239, %sub3A_238, %scan3A_228 : i32
        %eq3A_241 = arith.constant -1 : i32
        %eq3A_242 = arith.cmpi eq, %select_n3A_240, %eq3A_241 : i32
        %select_n3A_243 = arith.constant 7 : i32
        %select_n3A_244 = arith.select %eq3A_242, %select_n3A_243, %select_n3A_240 : i32
        %select_n3A_245 = arith.constant 0 : i32
        %select_n3A_246 = arith.constant -1 : i32
        %select_n3A_247 = arith.select %eq3A_242, %select_n3A_246, %select_n3A_245 : i32
        %eq3A_248 = arith.constant -1 : i32
        %eq3A_249 = arith.cmpi eq, %select_n3A_247, %eq3A_248 : i32
        %select_n3A_250 = arith.constant 0 : i32
        %select_n3A_251 = arith.select %eq3A_249, %select_n3A_250, %select_n3A_247 : i32
        %add3A_252 = arith.constant 0 : i32
        %add3A_253 = arith.addi %add3A_252, %mul3A_6 : i32
        %add3A_254 = arith.constant 0 : i32
        %add3A_255 = arith.addi %select_n3A_244, %add3A_254 : i32
        %add3A_256 = arith.constant 1 : i32
        %add3A_257 = arith.addi %scan3A_228, %add3A_256 : i32
        %select_n3A_258 = arith.constant true
        %select_n3A_259 = arith.select %select_n3A_258, %add3A_257, %scan3A_228 : i32
        %eq3A_260 = arith.constant 8 : i32
        %eq3A_261 = arith.cmpi eq, %select_n3A_259, %eq3A_260 : i32
        %select_n3A_262 = arith.constant 0 : i32
        %select_n3A_263 = arith.select %eq3A_261, %select_n3A_262, %select_n3A_259 : i32
        %select_n3A_264 = arith.constant 0 : i32
        %select_n3A_265 = arith.constant 1 : i32
        %select_n3A_266 = arith.select %eq3A_261, %select_n3A_265, %select_n3A_264 : i32
        %eq3A_267 = arith.constant 1 : i32
        %eq3A_268 = arith.cmpi eq, %select_n3A_266, %eq3A_267 : i32
        %select_n3A_269 = arith.constant 0 : i32
        %select_n3A_270 = arith.select %eq3A_268, %select_n3A_269, %select_n3A_266 : i32
        %add3A_271 = arith.constant 0 : i32
        %add3A_272 = arith.addi %add3A_271, %mul3A_6 : i32
        %add3A_273 = arith.constant 0 : i32
        %add3A_274 = arith.addi %select_n3A_263, %add3A_273 : i32
        %add3A_275 = arith.constant 1 : i32
        %add3A_276 = arith.addi %select_n3A_263, %add3A_275 : i32
        %select_n3A_277 = arith.constant true
        %select_n3A_278 = arith.select %select_n3A_277, %add3A_276, %select_n3A_263 : i32
        %eq3A_279 = arith.constant 8 : i32
        %eq3A_280 = arith.cmpi eq, %select_n3A_278, %eq3A_279 : i32
        %select_n3A_281 = arith.constant 0 : i32
        %select_n3A_282 = arith.select %eq3A_280, %select_n3A_281, %select_n3A_278 : i32
        %select_n3A_283 = arith.constant 0 : i32
        %select_n3A_284 = arith.constant 1 : i32
        %select_n3A_285 = arith.select %eq3A_280, %select_n3A_284, %select_n3A_283 : i32
        %eq3A_286 = arith.constant 1 : i32
        %eq3A_287 = arith.cmpi eq, %select_n3A_285, %eq3A_286 : i32
        %select_n3A_288 = arith.constant 0 : i32
        %select_n3A_289 = arith.select %eq3A_287, %select_n3A_288, %select_n3A_285 : i32
        %add3A_290 = arith.constant 0 : i32
        %add3A_291 = arith.addi %add3A_290, %mul3A_6 : i32
        %add3A_292 = arith.constant 0 : i32
        %add3A_293 = arith.addi %select_n3A_282, %add3A_292 : i32
        %ne3A = arith.cmpi ne, %add3A_236, %add3A_274 : i32
        %ne3A_294 = arith.cmpi ne, %add3A_234, %add3A_272 : i32
        %or3A = arith.constant false
        %or3A_295 = arith.ori %or3A, %ne3A : i1
        %or3A_296 = arith.ori %or3A_295, %ne3A_294 : i1
        %ge3A = arith.constant 7 : i32
        %ge3A_297 = arith.cmpi sge, %scan3A_220, %ge3A : i32
        %not3A = arith.constant true
        %not3A_298 = arith.xori %ge3A_297, %not3A : i1
        %and3A = arith.andi %or3A_296, %not3A_298 : i1
        %convert_element_type3A = arith.extui %and3A : i1 to i32
        %cond3A = arith.constant 0 : i32
        %cond3A_299 = arith.cmpi ne, %convert_element_type3A, %cond3A : i32
        scf.if %cond3A_299 {
          "tpu.trace_start"() <{level = 10 : i32, message = "ep_copy_in"}> : () -> ()
          %rem3A_527 = arith.constant 2 : i32
          %rem3A_528 = arith.remui %scan3A_221, %rem3A_527 : i32
          %mul3A_529 = arith.constant 1 : i32
          %mul3A_530 = arith.muli %mul3A_529, %add3A_274 : i32
          %mul3A_531 = arith.constant 128 : i32
          %mul3A_532 = arith.muli %mul3A_531, %add3A_272 : i32
          %dma_start3A_533 = arith.constant 0 : i32
          %dma_start3A_534 = arith.constant 0 : i32
          %dma_start3A_535 = tpu.memref_slice %run_scoped3A[%rem3A_528, %dma_start3A_533, %dma_start3A_534] : memref<2x1x128xi32, #tpu.memory_space<vmem>> -> memref<1x1x128xi32, #tpu.memory_space<vmem>>
          %dma_start3A_536 = tpu.memref_squeeze %dma_start3A_535 : memref<1x1x128xi32, #tpu.memory_space<vmem>> -> memref<1x128xi32, #tpu.memory_space<vmem>>
          %dma_start3A_537 = tpu.memref_slice %arg3[%mul3A_530, %mul3A_532] : memref<8x4096xi32, #tpu.memory_space<hbm>> -> memref<1x128xi32, #tpu.memory_space<hbm>>
          %dma_start3A_538 = tpu.memref_slice %run_scoped3A_7[%rem3A_528] : memref<2x!tpu.dma_semaphore, #tpu.memory_space<semaphore_mem>> -> memref<1x!tpu.dma_semaphore, #tpu.memory_space<semaphore_mem>>
          %dma_start3A_539 = tpu.memref_squeeze %dma_start3A_538 : memref<1x!tpu.dma_semaphore, #tpu.memory_space<semaphore_mem>> -> memref<!tpu.dma_semaphore, #tpu.memory_space<semaphore_mem>>
          %dma_start3A_540 = arith.constant 0 : i32
          %dma_start3A_541 = arith.constant 0 : i32
          %dma_start3A_542 = tpu.memref_slice %run_scoped3A[%rem3A_528, %dma_start3A_540, %dma_start3A_541] : memref<2x1x128xi32, #tpu.memory_space<vmem>> -> memref<1x1x128xi32, #tpu.memory_space<vmem>>
          %dma_start3A_543 = tpu.memref_squeeze %dma_start3A_542 : memref<1x1x128xi32, #tpu.memory_space<vmem>> -> memref<1x128xi32, #tpu.memory_space<vmem>>
          %dma_start3A_544 = tpu.memref_slice %arg3[%mul3A_530, %mul3A_532] : memref<8x4096xi32, #tpu.memory_space<hbm>> -> memref<1x128xi32, #tpu.memory_space<hbm>>
          tpu.enqueue_dma source(%dma_start3A_544 : memref<1x128xi32, #tpu.memory_space<hbm>>) target(%dma_start3A_543 : memref<1x128xi32, #tpu.memory_space<vmem>>) target_semaphore(%dma_start3A_539 : memref<!tpu.dma_semaphore, #tpu.memory_space<semaphore_mem>>)
          "tpu.trace_stop"() : () -> ()
        } else {
        }
        %and3A_300 = arith.constant true
        %and3A_301 = arith.andi %and3A, %and3A_300 : i1
        %add3A_302 = arith.constant 1 : i32
        %add3A_303 = arith.addi %scan3A_221, %add3A_302 : i32
        %select_n3A_304 = arith.select %and3A_301, %add3A_303, %scan3A_221 : i32
        %ne3A_305 = arith.cmpi ne, %add3A_236, %add3A_274 : i32
        %ne3A_306 = arith.cmpi ne, %add3A_234, %add3A_272 : i32
        %or3A_307 = arith.constant false
        %or3A_308 = arith.ori %or3A_307, %ne3A_305 : i1
        %or3A_309 = arith.ori %or3A_308, %ne3A_306 : i1
        %ge3A_310 = arith.constant 7 : i32
        %ge3A_311 = arith.cmpi sge, %scan3A_220, %ge3A_310 : i32
        %not3A_312 = arith.constant true
        %not3A_313 = arith.xori %ge3A_311, %not3A_312 : i1
        %and3A_314 = arith.andi %or3A_309, %not3A_313 : i1
        %convert_element_type3A_315 = arith.extui %and3A_314 : i1 to i32
        %cond3A_316 = arith.constant 0 : i32
        %cond3A_317 = arith.cmpi ne, %convert_element_type3A_315, %cond3A_316 : i32
        scf.if %cond3A_317 {
          "tpu.trace_start"() <{level = 10 : i32, message = "ep_copy_in"}> : () -> ()
          %rem3A_527 = arith.constant 2 : i32
          %rem3A_528 = arith.remui %scan3A_223, %rem3A_527 : i32
          %mul3A_529 = arith.constant 1 : i32
          %mul3A_530 = arith.muli %mul3A_529, %add3A_274 : i32
          %mul3A_531 = arith.constant 128 : i32
          %mul3A_532 = arith.muli %mul3A_531, %add3A_272 : i32
          %dma_start3A_533 = arith.constant 0 : i32
          %dma_start3A_534 = arith.constant 0 : i32
          %dma_start3A_535 = tpu.memref_slice %run_scoped3A_8[%rem3A_528, %dma_start3A_533, %dma_start3A_534] : memref<2x1x128xi32, #tpu.memory_space<vmem>> -> memref<1x1x128xi32, #tpu.memory_space<vmem>>
          %dma_start3A_536 = tpu.memref_squeeze %dma_start3A_535 : memref<1x1x128xi32, #tpu.memory_space<vmem>> -> memref<1x128xi32, #tpu.memory_space<vmem>>
          %dma_start3A_537 = tpu.memref_slice %arg4[%mul3A_530, %mul3A_532] : memref<8x4096xi32, #tpu.memory_space<hbm>> -> memref<1x128xi32, #tpu.memory_space<hbm>>
          %dma_start3A_538 = tpu.memref_slice %run_scoped3A_9[%rem3A_528] : memref<2x!tpu.dma_semaphore, #tpu.memory_space<semaphore_mem>> -> memref<1x!tpu.dma_semaphore, #tpu.memory_space<semaphore_mem>>
          %dma_start3A_539 = tpu.memref_squeeze %dma_start3A_538 : memref<1x!tpu.dma_semaphore, #tpu.memory_space<semaphore_mem>> -> memref<!tpu.dma_semaphore, #tpu.memory_space<semaphore_mem>>
          %dma_start3A_540 = arith.constant 0 : i32
          %dma_start3A_541 = arith.constant 0 : i32
          %dma_start3A_542 = tpu.memref_slice %run_scoped3A_8[%rem3A_528, %dma_start3A_540, %dma_start3A_541] : memref<2x1x128xi32, #tpu.memory_space<vmem>> -> memref<1x1x128xi32, #tpu.memory_space<vmem>>
          %dma_start3A_543 = tpu.memref_squeeze %dma_start3A_542 : memref<1x1x128xi32, #tpu.memory_space<vmem>> -> memref<1x128xi32, #tpu.memory_space<vmem>>
          %dma_start3A_544 = tpu.memref_slice %arg4[%mul3A_530, %mul3A_532] : memref<8x4096xi32, #tpu.memory_space<hbm>> -> memref<1x128xi32, #tpu.memory_space<hbm>>
          tpu.enqueue_dma source(%dma_start3A_544 : memref<1x128xi32, #tpu.memory_space<hbm>>) target(%dma_start3A_543 : memref<1x128xi32, #tpu.memory_space<vmem>>) target_semaphore(%dma_start3A_539 : memref<!tpu.dma_semaphore, #tpu.memory_space<semaphore_mem>>)
          "tpu.trace_stop"() : () -> ()
        } else {
        }
        %and3A_318 = arith.constant true
        %and3A_319 = arith.andi %and3A_314, %and3A_318 : i1
        %add3A_320 = arith.constant 1 : i32
        %add3A_321 = arith.addi %scan3A_223, %add3A_320 : i32
        %select_n3A_322 = arith.select %and3A_319, %add3A_321, %scan3A_223 : i32
        %ne3A_323 = arith.cmpi ne, %add3A_234, %add3A_272 : i32
        %ne3A_324 = arith.cmpi ne, %add3A_236, %add3A_274 : i32
        %or3A_325 = arith.constant false
        %or3A_326 = arith.ori %or3A_325, %ne3A_323 : i1
        %or3A_327 = arith.ori %or3A_326, %ne3A_324 : i1
        %ge3A_328 = arith.constant 7 : i32
        %ge3A_329 = arith.cmpi sge, %scan3A_220, %ge3A_328 : i32
        %not3A_330 = arith.constant true
        %not3A_331 = arith.xori %ge3A_329, %not3A_330 : i1
        %and3A_332 = arith.andi %or3A_327, %not3A_331 : i1
        %ne3A_333 = arith.cmpi ne, %add3A_236, %add3A_255 : i32
        %ne3A_334 = arith.cmpi ne, %add3A_234, %add3A_253 : i32
        %or3A_335 = arith.constant false
        %or3A_336 = arith.ori %or3A_335, %ne3A_333 : i1
        %or3A_337 = arith.ori %or3A_336, %ne3A_334 : i1
        %or3A_338 = arith.ori %or3A_337, %eq3A_230 : i1
        %convert_element_type3A_339 = arith.extui %or3A_338 : i1 to i32
        %cond3A_340 = arith.constant 0 : i32
        %cond3A_341 = arith.cmpi ne, %convert_element_type3A_339, %cond3A_340 : i32
        scf.if %cond3A_341 {
          "tpu.trace_start"() <{level = 10 : i32, message = "ep_wait_in"}> : () -> ()
          %mul3A_527 = arith.constant 1 : i32
          %mul3A_528 = arith.muli %mul3A_527, %add3A_236 : i32
          %mul3A_529 = arith.constant 128 : i32
          %mul3A_530 = arith.muli %mul3A_529, %add3A_234 : i32
          %rem3A_531 = arith.constant 2 : i32
          %rem3A_532 = arith.remui %scan3A_222, %rem3A_531 : i32
          %dma_wait3A_533 = arith.constant 0 : i32
          %dma_wait3A_534 = arith.constant 0 : i32
          %dma_wait3A_535 = tpu.memref_slice %run_scoped3A[%rem3A_532, %dma_wait3A_533, %dma_wait3A_534] : memref<2x1x128xi32, #tpu.memory_space<vmem>> -> memref<1x1x128xi32, #tpu.memory_space<vmem>>
          %dma_wait3A_536 = tpu.memref_squeeze %dma_wait3A_535 : memref<1x1x128xi32, #tpu.memory_space<vmem>> -> memref<1x128xi32, #tpu.memory_space<vmem>>
          %dma_wait3A_537 = tpu.memref_slice %arg3[%mul3A_528, %mul3A_530] : memref<8x4096xi32, #tpu.memory_space<hbm>> -> memref<1x128xi32, #tpu.memory_space<hbm>>
          %dma_wait3A_538 = tpu.memref_slice %run_scoped3A_7[%rem3A_532] : memref<2x!tpu.dma_semaphore, #tpu.memory_space<semaphore_mem>> -> memref<1x!tpu.dma_semaphore, #tpu.memory_space<semaphore_mem>>
          %dma_wait3A_539 = tpu.memref_squeeze %dma_wait3A_538 : memref<1x!tpu.dma_semaphore, #tpu.memory_space<semaphore_mem>> -> memref<!tpu.dma_semaphore, #tpu.memory_space<semaphore_mem>>
          %dma_wait3A_540 = arith.constant 0 : i32
          %dma_wait3A_541 = arith.constant 0 : i32
          %dma_wait3A_542 = tpu.memref_slice %run_scoped3A[%rem3A_532, %dma_wait3A_540, %dma_wait3A_541] : memref<2x1x128xi32, #tpu.memory_space<vmem>> -> memref<1x1x128xi32, #tpu.memory_space<vmem>>
          %dma_wait3A_543 = tpu.memref_squeeze %dma_wait3A_542 : memref<1x1x128xi32, #tpu.memory_space<vmem>> -> memref<1x128xi32, #tpu.memory_space<vmem>>
          %dma_wait3A_544 = tpu.memref_slice %arg3[%mul3A_528, %mul3A_530] : memref<8x4096xi32, #tpu.memory_space<hbm>> -> memref<1x128xi32, #tpu.memory_space<hbm>>
          tpu.wait_dma2 semaphore(%dma_wait3A_539 : memref<!tpu.dma_semaphore, #tpu.memory_space<semaphore_mem>>) src(%dma_wait3A_544 : memref<1x128xi32, #tpu.memory_space<hbm>>) dst(%dma_wait3A_543 : memref<1x128xi32, #tpu.memory_space<vmem>>)
          "tpu.trace_stop"() : () -> ()
        } else {
        }
        %ne3A_342 = arith.cmpi ne, %add3A_236, %add3A_255 : i32
        %ne3A_343 = arith.cmpi ne, %add3A_234, %add3A_253 : i32
        %or3A_344 = arith.constant false
        %or3A_345 = arith.ori %or3A_344, %ne3A_342 : i1
        %or3A_346 = arith.ori %or3A_345, %ne3A_343 : i1
        %or3A_347 = arith.ori %or3A_346, %eq3A_230 : i1
        %convert_element_type3A_348 = arith.extui %or3A_347 : i1 to i32
        %cond3A_349 = arith.constant 0 : i32
        %cond3A_350 = arith.cmpi ne, %convert_element_type3A_348, %cond3A_349 : i32
        scf.if %cond3A_350 {
          "tpu.trace_start"() <{level = 10 : i32, message = "ep_wait_in"}> : () -> ()
          %mul3A_527 = arith.constant 1 : i32
          %mul3A_528 = arith.muli %mul3A_527, %add3A_236 : i32
          %mul3A_529 = arith.constant 128 : i32
          %mul3A_530 = arith.muli %mul3A_529, %add3A_234 : i32
          %rem3A_531 = arith.constant 2 : i32
          %rem3A_532 = arith.remui %scan3A_224, %rem3A_531 : i32
          %dma_wait3A_533 = arith.constant 0 : i32
          %dma_wait3A_534 = arith.constant 0 : i32
          %dma_wait3A_535 = tpu.memref_slice %run_scoped3A_8[%rem3A_532, %dma_wait3A_533, %dma_wait3A_534] : memref<2x1x128xi32, #tpu.memory_space<vmem>> -> memref<1x1x128xi32, #tpu.memory_space<vmem>>
          %dma_wait3A_536 = tpu.memref_squeeze %dma_wait3A_535 : memref<1x1x128xi32, #tpu.memory_space<vmem>> -> memref<1x128xi32, #tpu.memory_space<vmem>>
          %dma_wait3A_537 = tpu.memref_slice %arg4[%mul3A_528, %mul3A_530] : memref<8x4096xi32, #tpu.memory_space<hbm>> -> memref<1x128xi32, #tpu.memory_space<hbm>>
          %dma_wait3A_538 = tpu.memref_slice %run_scoped3A_9[%rem3A_532] : memref<2x!tpu.dma_semaphore, #tpu.memory_space<semaphore_mem>> -> memref<1x!tpu.dma_semaphore, #tpu.memory_space<semaphore_mem>>
          %dma_wait3A_539 = tpu.memref_squeeze %dma_wait3A_538 : memref<1x!tpu.dma_semaphore, #tpu.memory_space<semaphore_mem>> -> memref<!tpu.dma_semaphore, #tpu.memory_space<semaphore_mem>>
          %dma_wait3A_540 = arith.constant 0 : i32
          %dma_wait3A_541 = arith.constant 0 : i32
          %dma_wait3A_542 = tpu.memref_slice %run_scoped3A_8[%rem3A_532, %dma_wait3A_540, %dma_wait3A_541] : memref<2x1x128xi32, #tpu.memory_space<vmem>> -> memref<1x1x128xi32, #tpu.memory_space<vmem>>
          %dma_wait3A_543 = tpu.memref_squeeze %dma_wait3A_542 : memref<1x1x128xi32, #tpu.memory_space<vmem>> -> memref<1x128xi32, #tpu.memory_space<vmem>>
          %dma_wait3A_544 = tpu.memref_slice %arg4[%mul3A_528, %mul3A_530] : memref<8x4096xi32, #tpu.memory_space<hbm>> -> memref<1x128xi32, #tpu.memory_space<hbm>>
          tpu.wait_dma2 semaphore(%dma_wait3A_539 : memref<!tpu.dma_semaphore, #tpu.memory_space<semaphore_mem>>) src(%dma_wait3A_544 : memref<1x128xi32, #tpu.memory_space<hbm>>) dst(%dma_wait3A_543 : memref<1x128xi32, #tpu.memory_space<vmem>>)
          "tpu.trace_stop"() : () -> ()
        } else {
        }
        %ne3A_351 = arith.cmpi ne, %add3A_234, %add3A_253 : i32
        %ne3A_352 = arith.cmpi ne, %add3A_236, %add3A_255 : i32
        %or3A_353 = arith.constant false
        %or3A_354 = arith.ori %or3A_353, %ne3A_351 : i1
        %or3A_355 = arith.ori %or3A_354, %ne3A_352 : i1
        %or3A_356 = arith.ori %or3A_355, %eq3A_230 : i1
        %convert_element_type3A_357 = arith.extui %or3A_356 : i1 to i32
        %cond3A_358 = arith.constant 0 : i32
        %cond3A_359 = arith.cmpi ne, %convert_element_type3A_357, %cond3A_358 : i32
        scf.if %cond3A_359 {
        } else {
        }
        %rem3A_360 = arith.constant 2 : i32
        %rem3A_361 = arith.remui %scan3A_222, %rem3A_360 : i32
        %rem3A_362 = arith.constant 2 : i32
        %rem3A_363 = arith.remui %scan3A_224, %rem3A_362 : i32
        %rem3A_364 = arith.constant 2 : i32
        %rem3A_365 = arith.remui %scan3A_225, %rem3A_364 : i32
        %dma_start3A_366 = arith.constant 0 : i32
        "tpu.trace_start"() <{level = 10 : i32, message = "ep_run_kernel"}> : () -> ()
        %dma_start3A_367 = arith.constant 0 : i32
        %dma_start3A_368 = arith.constant 0 : i32
        %dma_start3A_369 = tpu.memref_slice %run_scoped3A[%rem3A_361, %dma_start3A_367, %dma_start3A_368] : memref<2x1x128xi32, #tpu.memory_space<vmem>> -> memref<1x1x128xi32, #tpu.memory_space<vmem>>
        %dma_start3A_370 = tpu.memref_squeeze %dma_start3A_369 : memref<1x1x128xi32, #tpu.memory_space<vmem>> -> memref<1x128xi32, #tpu.memory_space<vmem>>
        %dma_start3A_371 = arith.constant 0 : i32
        %dma_start3A_372 = tpu.memref_slice %dma_start3A_370[%dma_start3A_366, %dma_start3A_371] : memref<1x128xi32, #tpu.memory_space<vmem>> -> memref<1x128xi32, #tpu.memory_space<vmem>>
        %dma_start3A_373 = tpu.memref_squeeze %dma_start3A_372 : memref<1x128xi32, #tpu.memory_space<vmem>> -> memref<128xi32, #tpu.memory_space<vmem>>
        %dma_start3A_374 = arith.constant 0 : i32
        %dma_start3A_375 = arith.constant 0 : i32
        %dma_start3A_376 = tpu.memref_slice %arg2[%dma_start3A_374, %dma_start3A_375] : memref<94208x128xf32, #tpu.memory_space<hbm>> -> memref<94208x128xf32, #tpu.memory_space<hbm>>
        tpu.enqueue_indirect_dma source(%dma_start3A_376 : memref<94208x128xf32, #tpu.memory_space<hbm>>) target(%arg6 : memref<128x128xf32, #tpu.memory_space<vmem>>) offsets(%dma_start3A_373 : memref<128xi32, #tpu.memory_space<vmem>>) semaphore(%arg8 : memref<!tpu.dma_semaphore, #tpu.memory_space<semaphore_mem>>)
        %dma_start3A_377 = arith.constant 0 : i32
        %dma_start3A_378 = arith.constant 0 : i32
        %dma_start3A_379 = arith.constant 0 : i32
        %dma_start3A_380 = tpu.memref_slice %run_scoped3A_8[%rem3A_363, %dma_start3A_378, %dma_start3A_379] : memref<2x1x128xi32, #tpu.memory_space<vmem>> -> memref<1x1x128xi32, #tpu.memory_space<vmem>>
        %dma_start3A_381 = tpu.memref_squeeze %dma_start3A_380 : memref<1x1x128xi32, #tpu.memory_space<vmem>> -> memref<1x128xi32, #tpu.memory_space<vmem>>
        %dma_start3A_382 = arith.constant 0 : i32
        %dma_start3A_383 = tpu.memref_slice %dma_start3A_381[%dma_start3A_377, %dma_start3A_382] : memref<1x128xi32, #tpu.memory_space<vmem>> -> memref<1x128xi32, #tpu.memory_space<vmem>>
        %dma_start3A_384 = tpu.memref_squeeze %dma_start3A_383 : memref<1x128xi32, #tpu.memory_space<vmem>> -> memref<128xi32, #tpu.memory_space<vmem>>
        %dma_start3A_385 = arith.constant 0 : i32
        %dma_start3A_386 = arith.constant 0 : i32
        %dma_start3A_387 = tpu.memref_slice %arg2[%dma_start3A_385, %dma_start3A_386] : memref<94208x128xf32, #tpu.memory_space<hbm>> -> memref<94208x128xf32, #tpu.memory_space<hbm>>
        tpu.enqueue_indirect_dma source(%dma_start3A_387 : memref<94208x128xf32, #tpu.memory_space<hbm>>) target(%arg7 : memref<128x128xf32, #tpu.memory_space<vmem>>) offsets(%dma_start3A_384 : memref<128xi32, #tpu.memory_space<vmem>>) semaphore(%arg9 : memref<!tpu.dma_semaphore, #tpu.memory_space<semaphore_mem>>)
        %dma_wait3A_388 = arith.constant 0 : i32
        %dma_wait3A_389 = arith.constant 0 : i32
        %dma_wait3A_390 = arith.constant 0 : i32
        %dma_wait3A_391 = tpu.memref_slice %run_scoped3A[%rem3A_361, %dma_wait3A_389, %dma_wait3A_390] : memref<2x1x128xi32, #tpu.memory_space<vmem>> -> memref<1x1x128xi32, #tpu.memory_space<vmem>>
        %dma_wait3A_392 = tpu.memref_squeeze %dma_wait3A_391 : memref<1x1x128xi32, #tpu.memory_space<vmem>> -> memref<1x128xi32, #tpu.memory_space<vmem>>
        %dma_wait3A_393 = arith.constant 0 : i32
        %dma_wait3A_394 = tpu.memref_slice %dma_wait3A_392[%dma_wait3A_388, %dma_wait3A_393] : memref<1x128xi32, #tpu.memory_space<vmem>> -> memref<1x128xi32, #tpu.memory_space<vmem>>
        %dma_wait3A_395 = tpu.memref_squeeze %dma_wait3A_394 : memref<1x128xi32, #tpu.memory_space<vmem>> -> memref<128xi32, #tpu.memory_space<vmem>>
        %dma_wait3A_396 = arith.constant 0 : i32
        %dma_wait3A_397 = arith.constant 0 : i32
        %dma_wait3A_398 = tpu.memref_slice %arg2[%dma_wait3A_396, %dma_wait3A_397] : memref<94208x128xf32, #tpu.memory_space<hbm>> -> memref<94208x128xf32, #tpu.memory_space<hbm>>
        tpu.wait_indirect_dma semaphore(%arg8 : memref<!tpu.dma_semaphore, #tpu.memory_space<semaphore_mem>>) src(%dma_wait3A_398 : memref<94208x128xf32, #tpu.memory_space<hbm>>) dst(%arg6 : memref<128x128xf32, #tpu.memory_space<vmem>>)
        %dma_wait3A_399 = arith.constant 0 : i32
        %dma_wait3A_400 = arith.constant 0 : i32
        %dma_wait3A_401 = arith.constant 0 : i32
        %dma_wait3A_402 = tpu.memref_slice %run_scoped3A_8[%rem3A_363, %dma_wait3A_400, %dma_wait3A_401] : memref<2x1x128xi32, #tpu.memory_space<vmem>> -> memref<1x1x128xi32, #tpu.memory_space<vmem>>
        %dma_wait3A_403 = tpu.memref_squeeze %dma_wait3A_402 : memref<1x1x128xi32, #tpu.memory_space<vmem>> -> memref<1x128xi32, #tpu.memory_space<vmem>>
        %dma_wait3A_404 = arith.constant 0 : i32
        %dma_wait3A_405 = tpu.memref_slice %dma_wait3A_403[%dma_wait3A_399, %dma_wait3A_404] : memref<1x128xi32, #tpu.memory_space<vmem>> -> memref<1x128xi32, #tpu.memory_space<vmem>>
        %dma_wait3A_406 = tpu.memref_squeeze %dma_wait3A_405 : memref<1x128xi32, #tpu.memory_space<vmem>> -> memref<128xi32, #tpu.memory_space<vmem>>
        %dma_wait3A_407 = arith.constant 0 : i32
        %dma_wait3A_408 = arith.constant 0 : i32
        %dma_wait3A_409 = tpu.memref_slice %arg2[%dma_wait3A_407, %dma_wait3A_408] : memref<94208x128xf32, #tpu.memory_space<hbm>> -> memref<94208x128xf32, #tpu.memory_space<hbm>>
        tpu.wait_indirect_dma semaphore(%arg9 : memref<!tpu.dma_semaphore, #tpu.memory_space<semaphore_mem>>) src(%dma_wait3A_409 : memref<94208x128xf32, #tpu.memory_space<hbm>>) dst(%arg7 : memref<128x128xf32, #tpu.memory_space<vmem>>)
        %scan3A_410 = arith.constant 0 : i32
        %scan3A_411 = arith.constant 128 : i32
        %scan3A_412 = arith.addi %scan3A_410, %scan3A_411 : i32
        %scan3A_413 = arith.constant 1 : i32
        scf.for %scan3A_527 = %scan3A_410 to %scan3A_412 step %scan3A_413  : i32 {
          %mul3A_528 = arith.constant 1 : i32
          %mul3A_529 = arith.muli %scan3A_527, %mul3A_528 : i32
          %add3A_530 = arith.constant 0 : i32
          %add3A_531 = arith.addi %add3A_530, %mul3A_529 : i32
          %get3A = arith.index_cast %add3A_531 : i32 to index
          %get3A_532 = arith.constant 0 : index
          %get3A_533 = tpu.vector_load %arg6[%get3A, %get3A_532] {strides = array<i32>} : memref<128x128xf32, #tpu.memory_space<vmem>>, vector<1x16xf32>,
          %get3A_534 = vector.shape_cast %get3A_533 : vector<1x16xf32> to vector<1x16xf32>
          %get3A_535 = arith.index_cast %add3A_531 : i32 to index
          %get3A_536 = arith.constant 0 : index
          %get3A_537 = tpu.vector_load %arg7[%get3A_535, %get3A_536] {strides = array<i32>} : memref<128x128xf32, #tpu.memory_space<vmem>>, vector<1x16xf32>,
          %get3A_538 = vector.shape_cast %get3A_537 : vector<1x16xf32> to vector<1x16xf32>
          %add3A_539 = arith.addf %get3A_534, %get3A_538 : vector<1x16xf32>
          %swap3A = arith.constant 0 : i32
          %swap3A_540 = arith.constant 0 : i32
          %swap3A_541 = tpu.memref_slice %run_scoped3A_10[%rem3A_365, %swap3A, %swap3A_540] : memref<2x128x128xf32, #tpu.memory_space<vmem>> -> memref<1x128x128xf32, #tpu.memory_space<vmem>>
          %swap3A_542 = tpu.memref_squeeze %swap3A_541 : memref<1x128x128xf32, #tpu.memory_space<vmem>> -> memref<128x128xf32, #tpu.memory_space<vmem>>
          %swap3A_543 = arith.index_cast %add3A_531 : i32 to index
          %swap3A_544 = arith.constant 0 : index
          %swap3A_545 = tpu.vector_load %swap3A_542[%swap3A_543, %swap3A_544] {strides = array<i32>} : memref<128x128xf32, #tpu.memory_space<vmem>>, vector<1x16xf32>,
          %swap3A_546 = vector.shape_cast %swap3A_545 : vector<1x16xf32> to vector<1x16xf32>
          %swap3A_547 = vector.shape_cast %add3A_539 : vector<1x16xf32> to vector<1x16xf32>
          tpu.vector_store %swap3A_542[%swap3A_543, %swap3A_544], %swap3A_547 {strides = array<i32>} : memref<128x128xf32, #tpu.memory_space<vmem>>, vector<1x16xf32>,
          %get3A_548 = arith.index_cast %add3A_531 : i32 to index
          %get3A_549 = arith.constant 16 : index
          %get3A_550 = tpu.vector_load %arg6[%get3A_548, %get3A_549] {strides = array<i32>} : memref<128x128xf32, #tpu.memory_space<vmem>>, vector<1x16xf32>,
          %get3A_551 = vector.shape_cast %get3A_550 : vector<1x16xf32> to vector<1x16xf32>
          %get3A_552 = arith.index_cast %add3A_531 : i32 to index
          %get3A_553 = arith.constant 16 : index
          %get3A_554 = tpu.vector_load %arg7[%get3A_552, %get3A_553] {strides = array<i32>} : memref<128x128xf32, #tpu.memory_space<vmem>>, vector<1x16xf32>,
          %get3A_555 = vector.shape_cast %get3A_554 : vector<1x16xf32> to vector<1x16xf32>
          %add3A_556 = arith.addf %get3A_551, %get3A_555 : vector<1x16xf32>
          %swap3A_557 = arith.constant 0 : i32
          %swap3A_558 = arith.constant 0 : i32
          %swap3A_559 = tpu.memref_slice %run_scoped3A_10[%rem3A_365, %swap3A_557, %swap3A_558] : memref<2x128x128xf32, #tpu.memory_space<vmem>> -> memref<1x128x128xf32, #tpu.memory_space<vmem>>
          %swap3A_560 = tpu.memref_squeeze %swap3A_559 : memref<1x128x128xf32, #tpu.memory_space<vmem>> -> memref<128x128xf32, #tpu.memory_space<vmem>>
          %swap3A_561 = arith.index_cast %add3A_531 : i32 to index
          %swap3A_562 = arith.constant 16 : index
          %swap3A_563 = tpu.vector_load %swap3A_560[%swap3A_561, %swap3A_562] {strides = array<i32>} : memref<128x128xf32, #tpu.memory_space<vmem>>, vector<1x16xf32>,
          %swap3A_564 = vector.shape_cast %swap3A_563 : vector<1x16xf32> to vector<1x16xf32>
          %swap3A_565 = vector.shape_cast %add3A_556 : vector<1x16xf32> to vector<1x16xf32>
          tpu.vector_store %swap3A_560[%swap3A_561, %swap3A_562], %swap3A_565 {strides = array<i32>} : memref<128x128xf32, #tpu.memory_space<vmem>>, vector<1x16xf32>,
          %get3A_566 = arith.index_cast %add3A_531 : i32 to index
          %get3A_567 = arith.constant 32 : index
          %get3A_568 = tpu.vector_load %arg6[%get3A_566, %get3A_567] {strides = array<i32>} : memref<128x128xf32, #tpu.memory_space<vmem>>, vector<1x16xf32>,
          %get3A_569 = vector.shape_cast %get3A_568 : vector<1x16xf32> to vector<1x16xf32>
          %get3A_570 = arith.index_cast %add3A_531 : i32 to index
          %get3A_571 = arith.constant 32 : index
          %get3A_572 = tpu.vector_load %arg7[%get3A_570, %get3A_571] {strides = array<i32>} : memref<128x128xf32, #tpu.memory_space<vmem>>, vector<1x16xf32>,
          %get3A_573 = vector.shape_cast %get3A_572 : vector<1x16xf32> to vector<1x16xf32>
          %add3A_574 = arith.addf %get3A_569, %get3A_573 : vector<1x16xf32>
          %swap3A_575 = arith.constant 0 : i32
          %swap3A_576 = arith.constant 0 : i32
          %swap3A_577 = tpu.memref_slice %run_scoped3A_10[%rem3A_365, %swap3A_575, %swap3A_576] : memref<2x128x128xf32, #tpu.memory_space<vmem>> -> memref<1x128x128xf32, #tpu.memory_space<vmem>>
          %swap3A_578 = tpu.memref_squeeze %swap3A_577 : memref<1x128x128xf32, #tpu.memory_space<vmem>> -> memref<128x128xf32, #tpu.memory_space<vmem>>
          %swap3A_579 = arith.index_cast %add3A_531 : i32 to index
          %swap3A_580 = arith.constant 32 : index
          %swap3A_581 = tpu.vector_load %swap3A_578[%swap3A_579, %swap3A_580] {strides = array<i32>} : memref<128x128xf32, #tpu.memory_space<vmem>>, vector<1x16xf32>,
          %swap3A_582 = vector.shape_cast %swap3A_581 : vector<1x16xf32> to vector<1x16xf32>
          %swap3A_583 = vector.shape_cast %add3A_574 : vector<1x16xf32> to vector<1x16xf32>
          tpu.vector_store %swap3A_578[%swap3A_579, %swap3A_580], %swap3A_583 {strides = array<i32>} : memref<128x128xf32, #tpu.memory_space<vmem>>, vector<1x16xf32>,
          %get3A_584 = arith.index_cast %add3A_531 : i32 to index
          %get3A_585 = arith.constant 48 : index
          %get3A_586 = tpu.vector_load %arg6[%get3A_584, %get3A_585] {strides = array<i32>} : memref<128x128xf32, #tpu.memory_space<vmem>>, vector<1x16xf32>,
          %get3A_587 = vector.shape_cast %get3A_586 : vector<1x16xf32> to vector<1x16xf32>
          %get3A_588 = arith.index_cast %add3A_531 : i32 to index
          %get3A_589 = arith.constant 48 : index
          %get3A_590 = tpu.vector_load %arg7[%get3A_588, %get3A_589] {strides = array<i32>} : memref<128x128xf32, #tpu.memory_space<vmem>>, vector<1x16xf32>,
          %get3A_591 = vector.shape_cast %get3A_590 : vector<1x16xf32> to vector<1x16xf32>
          %add3A_592 = arith.addf %get3A_587, %get3A_591 : vector<1x16xf32>
          %swap3A_593 = arith.constant 0 : i32
          %swap3A_594 = arith.constant 0 : i32
          %swap3A_595 = tpu.memref_slice %run_scoped3A_10[%rem3A_365, %swap3A_593, %swap3A_594] : memref<2x128x128xf32, #tpu.memory_space<vmem>> -> memref<1x128x128xf32, #tpu.memory_space<vmem>>
          %swap3A_596 = tpu.memref_squeeze %swap3A_595 : memref<1x128x128xf32, #tpu.memory_space<vmem>> -> memref<128x128xf32, #tpu.memory_space<vmem>>
          %swap3A_597 = arith.index_cast %add3A_531 : i32 to index
          %swap3A_598 = arith.constant 48 : index
          %swap3A_599 = tpu.vector_load %swap3A_596[%swap3A_597, %swap3A_598] {strides = array<i32>} : memref<128x128xf32, #tpu.memory_space<vmem>>, vector<1x16xf32>,
          %swap3A_600 = vector.shape_cast %swap3A_599 : vector<1x16xf32> to vector<1x16xf32>
          %swap3A_601 = vector.shape_cast %add3A_592 : vector<1x16xf32> to vector<1x16xf32>
          tpu.vector_store %swap3A_596[%swap3A_597, %swap3A_598], %swap3A_601 {strides = array<i32>} : memref<128x128xf32, #tpu.memory_space<vmem>>, vector<1x16xf32>,
          %get3A_602 = arith.index_cast %add3A_531 : i32 to index
          %get3A_603 = arith.constant 64 : index
          %get3A_604 = tpu.vector_load %arg6[%get3A_602, %get3A_603] {strides = array<i32>} : memref<128x128xf32, #tpu.memory_space<vmem>>, vector<1x16xf32>,
          %get3A_605 = vector.shape_cast %get3A_604 : vector<1x16xf32> to vector<1x16xf32>
          %get3A_606 = arith.index_cast %add3A_531 : i32 to index
          %get3A_607 = arith.constant 64 : index
          %get3A_608 = tpu.vector_load %arg7[%get3A_606, %get3A_607] {strides = array<i32>} : memref<128x128xf32, #tpu.memory_space<vmem>>, vector<1x16xf32>,
          %get3A_609 = vector.shape_cast %get3A_608 : vector<1x16xf32> to vector<1x16xf32>
          %add3A_610 = arith.addf %get3A_605, %get3A_609 : vector<1x16xf32>
          %swap3A_611 = arith.constant 0 : i32
          %swap3A_612 = arith.constant 0 : i32
          %swap3A_613 = tpu.memref_slice %run_scoped3A_10[%rem3A_365, %swap3A_611, %swap3A_612] : memref<2x128x128xf32, #tpu.memory_space<vmem>> -> memref<1x128x128xf32, #tpu.memory_space<vmem>>
          %swap3A_614 = tpu.memref_squeeze %swap3A_613 : memref<1x128x128xf32, #tpu.memory_space<vmem>> -> memref<128x128xf32, #tpu.memory_space<vmem>>
          %swap3A_615 = arith.index_cast %add3A_531 : i32 to index
          %swap3A_616 = arith.constant 64 : index
          %swap3A_617 = tpu.vector_load %swap3A_614[%swap3A_615, %swap3A_616] {strides = array<i32>} : memref<128x128xf32, #tpu.memory_space<vmem>>, vector<1x16xf32>,
          %swap3A_618 = vector.shape_cast %swap3A_617 : vector<1x16xf32> to vector<1x16xf32>
          %swap3A_619 = vector.shape_cast %add3A_610 : vector<1x16xf32> to vector<1x16xf32>
          tpu.vector_store %swap3A_614[%swap3A_615, %swap3A_616], %swap3A_619 {strides = array<i32>} : memref<128x128xf32, #tpu.memory_space<vmem>>, vector<1x16xf32>,
          %get3A_620 = arith.index_cast %add3A_531 : i32 to index
          %get3A_621 = arith.constant 80 : index
          %get3A_622 = tpu.vector_load %arg6[%get3A_620, %get3A_621] {strides = array<i32>} : memref<128x128xf32, #tpu.memory_space<vmem>>, vector<1x16xf32>,
          %get3A_623 = vector.shape_cast %get3A_622 : vector<1x16xf32> to vector<1x16xf32>
          %get3A_624 = arith.index_cast %add3A_531 : i32 to index
          %get3A_625 = arith.constant 80 : index
          %get3A_626 = tpu.vector_load %arg7[%get3A_624, %get3A_625] {strides = array<i32>} : memref<128x128xf32, #tpu.memory_space<vmem>>, vector<1x16xf32>,
          %get3A_627 = vector.shape_cast %get3A_626 : vector<1x16xf32> to vector<1x16xf32>
          %add3A_628 = arith.addf %get3A_623, %get3A_627 : vector<1x16xf32>
          %swap3A_629 = arith.constant 0 : i32
          %swap3A_630 = arith.constant 0 : i32
          %swap3A_631 = tpu.memref_slice %run_scoped3A_10[%rem3A_365, %swap3A_629, %swap3A_630] : memref<2x128x128xf32, #tpu.memory_space<vmem>> -> memref<1x128x128xf32, #tpu.memory_space<vmem>>
          %swap3A_632 = tpu.memref_squeeze %swap3A_631 : memref<1x128x128xf32, #tpu.memory_space<vmem>> -> memref<128x128xf32, #tpu.memory_space<vmem>>
          %swap3A_633 = arith.index_cast %add3A_531 : i32 to index
          %swap3A_634 = arith.constant 80 : index
          %swap3A_635 = tpu.vector_load %swap3A_632[%swap3A_633, %swap3A_634] {strides = array<i32>} : memref<128x128xf32, #tpu.memory_space<vmem>>, vector<1x16xf32>,
          %swap3A_636 = vector.shape_cast %swap3A_635 : vector<1x16xf32> to vector<1x16xf32>
          %swap3A_637 = vector.shape_cast %add3A_628 : vector<1x16xf32> to vector<1x16xf32>
          tpu.vector_store %swap3A_632[%swap3A_633, %swap3A_634], %swap3A_637 {strides = array<i32>} : memref<128x128xf32, #tpu.memory_space<vmem>>, vector<1x16xf32>,
          %get3A_638 = arith.index_cast %add3A_531 : i32 to index
          %get3A_639 = arith.constant 96 : index
          %get3A_640 = tpu.vector_load %arg6[%get3A_638, %get3A_639] {strides = array<i32>} : memref<128x128xf32, #tpu.memory_space<vmem>>, vector<1x16xf32>,
          %get3A_641 = vector.shape_cast %get3A_640 : vector<1x16xf32> to vector<1x16xf32>
          %get3A_642 = arith.index_cast %add3A_531 : i32 to index
          %get3A_643 = arith.constant 96 : index
          %get3A_644 = tpu.vector_load %arg7[%get3A_642, %get3A_643] {strides = array<i32>} : memref<128x128xf32, #tpu.memory_space<vmem>>, vector<1x16xf32>,
          %get3A_645 = vector.shape_cast %get3A_644 : vector<1x16xf32> to vector<1x16xf32>
          %add3A_646 = arith.addf %get3A_641, %get3A_645 : vector<1x16xf32>
          %swap3A_647 = arith.constant 0 : i32
          %swap3A_648 = arith.constant 0 : i32
          %swap3A_649 = tpu.memref_slice %run_scoped3A_10[%rem3A_365, %swap3A_647, %swap3A_648] : memref<2x128x128xf32, #tpu.memory_space<vmem>> -> memref<1x128x128xf32, #tpu.memory_space<vmem>>
          %swap3A_650 = tpu.memref_squeeze %swap3A_649 : memref<1x128x128xf32, #tpu.memory_space<vmem>> -> memref<128x128xf32, #tpu.memory_space<vmem>>
          %swap3A_651 = arith.index_cast %add3A_531 : i32 to index
          %swap3A_652 = arith.constant 96 : index
          %swap3A_653 = tpu.vector_load %swap3A_650[%swap3A_651, %swap3A_652] {strides = array<i32>} : memref<128x128xf32, #tpu.memory_space<vmem>>, vector<1x16xf32>,
          %swap3A_654 = vector.shape_cast %swap3A_653 : vector<1x16xf32> to vector<1x16xf32>
          %swap3A_655 = vector.shape_cast %add3A_646 : vector<1x16xf32> to vector<1x16xf32>
          tpu.vector_store %swap3A_650[%swap3A_651, %swap3A_652], %swap3A_655 {strides = array<i32>} : memref<128x128xf32, #tpu.memory_space<vmem>>, vector<1x16xf32>,
          %get3A_656 = arith.index_cast %add3A_531 : i32 to index
          %get3A_657 = arith.constant 112 : index
          %get3A_658 = tpu.vector_load %arg6[%get3A_656, %get3A_657] {strides = array<i32>} : memref<128x128xf32, #tpu.memory_space<vmem>>, vector<1x16xf32>,
          %get3A_659 = vector.shape_cast %get3A_658 : vector<1x16xf32> to vector<1x16xf32>
          %get3A_660 = arith.index_cast %add3A_531 : i32 to index
          %get3A_661 = arith.constant 112 : index
          %get3A_662 = tpu.vector_load %arg7[%get3A_660, %get3A_661] {strides = array<i32>} : memref<128x128xf32, #tpu.memory_space<vmem>>, vector<1x16xf32>,
          %get3A_663 = vector.shape_cast %get3A_662 : vector<1x16xf32> to vector<1x16xf32>
          %add3A_664 = arith.addf %get3A_659, %get3A_663 : vector<1x16xf32>
          %swap3A_665 = arith.constant 0 : i32
          %swap3A_666 = arith.constant 0 : i32
          %swap3A_667 = tpu.memref_slice %run_scoped3A_10[%rem3A_365, %swap3A_665, %swap3A_666] : memref<2x128x128xf32, #tpu.memory_space<vmem>> -> memref<1x128x128xf32, #tpu.memory_space<vmem>>
          %swap3A_668 = tpu.memref_squeeze %swap3A_667 : memref<1x128x128xf32, #tpu.memory_space<vmem>> -> memref<128x128xf32, #tpu.memory_space<vmem>>
          %swap3A_669 = arith.index_cast %add3A_531 : i32 to index
          %swap3A_670 = arith.constant 112 : index
          %swap3A_671 = tpu.vector_load %swap3A_668[%swap3A_669, %swap3A_670] {strides = array<i32>} : memref<128x128xf32, #tpu.memory_space<vmem>>, vector<1x16xf32>,
          %swap3A_672 = vector.shape_cast %swap3A_671 : vector<1x16xf32> to vector<1x16xf32>
          %swap3A_673 = vector.shape_cast %add3A_664 : vector<1x16xf32> to vector<1x16xf32>
          tpu.vector_store %swap3A_668[%swap3A_669, %swap3A_670], %swap3A_673 {strides = array<i32>} : memref<128x128xf32, #tpu.memory_space<vmem>>, vector<1x16xf32>,
        }
        %scan3A_414 = arith.constant 128 : i32
        "tpu.trace_stop"() : () -> ()
        %ne3A_415 = arith.cmpi ne, %add3A_236, %add3A_274 : i32
        %ne3A_416 = arith.cmpi ne, %add3A_234, %add3A_272 : i32
        %or3A_417 = arith.constant false
        %or3A_418 = arith.ori %or3A_417, %ne3A_415 : i1
        %or3A_419 = arith.ori %or3A_418, %ne3A_416 : i1
        %or3A_420 = arith.ori %or3A_419, %eq3A_232 : i1
        %convert_element_type3A_421 = arith.extui %or3A_420 : i1 to i32
        %cond3A_422 = arith.constant 0 : i32
        %cond3A_423 = arith.cmpi ne, %convert_element_type3A_421, %cond3A_422 : i32
        scf.if %cond3A_423 {
        } else {
        }
        %and3A_424 = arith.constant false
        %and3A_425 = arith.andi %or3A_420, %and3A_424 : i1
        %ne3A_426 = arith.cmpi ne, %add3A_236, %add3A_274 : i32
        %ne3A_427 = arith.cmpi ne, %add3A_234, %add3A_272 : i32
        %or3A_428 = arith.constant false
        %or3A_429 = arith.ori %or3A_428, %ne3A_426 : i1
        %or3A_430 = arith.ori %or3A_429, %ne3A_427 : i1
        %or3A_431 = arith.ori %or3A_430, %eq3A_232 : i1
        %convert_element_type3A_432 = arith.extui %or3A_431 : i1 to i32
        %cond3A_433 = arith.constant 0 : i32
        %cond3A_434 = arith.cmpi ne, %convert_element_type3A_432, %cond3A_433 : i32
        scf.if %cond3A_434 {
        } else {
        }
        %and3A_435 = arith.constant false
        %and3A_436 = arith.andi %or3A_431, %and3A_435 : i1
        %ne3A_437 = arith.cmpi ne, %add3A_234, %add3A_272 : i32
        %ne3A_438 = arith.cmpi ne, %add3A_236, %add3A_274 : i32
        %or3A_439 = arith.constant false
        %or3A_440 = arith.ori %or3A_439, %ne3A_437 : i1
        %or3A_441 = arith.ori %or3A_440, %ne3A_438 : i1
        %or3A_442 = arith.ori %or3A_441, %eq3A_232 : i1
        %convert_element_type3A_443 = arith.extui %or3A_442 : i1 to i32
        %cond3A_444 = arith.constant 0 : i32
        %cond3A_445 = arith.cmpi ne, %convert_element_type3A_443, %cond3A_444 : i32
        scf.if %cond3A_445 {
          "tpu.trace_start"() <{level = 10 : i32, message = "ep_copy_out"}> : () -> ()
          %rem3A_527 = arith.constant 2 : i32
          %rem3A_528 = arith.remui %scan3A_225, %rem3A_527 : i32
          %mul3A_529 = arith.constant 128 : i32
          %mul3A_530 = arith.muli %mul3A_529, %add3A_234 : i32
          %mul3A_531 = arith.constant 128 : i32
          %mul3A_532 = arith.muli %mul3A_531, %add3A_236 : i32
          %dma_start3A_533 = arith.constant 0 : i32
          %dma_start3A_534 = arith.constant 0 : i32
          %dma_start3A_535 = tpu.memref_slice %run_scoped3A_10[%rem3A_528, %dma_start3A_533, %dma_start3A_534] : memref<2x128x128xf32, #tpu.memory_space<vmem>> -> memref<1x128x128xf32, #tpu.memory_space<vmem>>
          %dma_start3A_536 = tpu.memref_squeeze %dma_start3A_535 : memref<1x128x128xf32, #tpu.memory_space<vmem>> -> memref<128x128xf32, #tpu.memory_space<vmem>>
          %dma_start3A_537 = tpu.memref_slice %arg5[%mul3A_530, %mul3A_532] : memref<4096x1024xf32, #tpu.memory_space<hbm>> -> memref<128x128xf32, #tpu.memory_space<hbm>>
          %dma_start3A_538 = tpu.memref_slice %run_scoped3A_11[%rem3A_528] : memref<2x!tpu.dma_semaphore, #tpu.memory_space<semaphore_mem>> -> memref<1x!tpu.dma_semaphore, #tpu.memory_space<semaphore_mem>>
          %dma_start3A_539 = tpu.memref_squeeze %dma_start3A_538 : memref<1x!tpu.dma_semaphore, #tpu.memory_space<semaphore_mem>> -> memref<!tpu.dma_semaphore, #tpu.memory_space<semaphore_mem>>
          %dma_start3A_540 = tpu.memref_slice %arg5[%mul3A_530, %mul3A_532] : memref<4096x1024xf32, #tpu.memory_space<hbm>> -> memref<128x128xf32, #tpu.memory_space<hbm>>
          %dma_start3A_541 = arith.constant 0 : i32
          %dma_start3A_542 = arith.constant 0 : i32
          %dma_start3A_543 = tpu.memref_slice %run_scoped3A_10[%rem3A_528, %dma_start3A_541, %dma_start3A_542] : memref<2x128x128xf32, #tpu.memory_space<vmem>> -> memref<1x128x128xf32, #tpu.memory_space<vmem>>
          %dma_start3A_544 = tpu.memref_squeeze %dma_start3A_543 : memref<1x128x128xf32, #tpu.memory_space<vmem>> -> memref<128x128xf32, #tpu.memory_space<vmem>>
          tpu.enqueue_dma source(%dma_start3A_544 : memref<128x128xf32, #tpu.memory_space<vmem>>) target(%dma_start3A_540 : memref<128x128xf32, #tpu.memory_space<hbm>>) target_semaphore(%dma_start3A_539 : memref<!tpu.dma_semaphore, #tpu.memory_space<semaphore_mem>>)
          "tpu.trace_stop"() : () -> ()
        } else {
        }
        %and3A_446 = arith.constant true
        %and3A_447 = arith.andi %or3A_442, %and3A_446 : i1
        %add3A_448 = arith.constant 1 : i32
        %add3A_449 = arith.addi %scan3A_225, %add3A_448 : i32
        %select_n3A_450 = arith.select %and3A_447, %add3A_449, %scan3A_225 : i32
        %ne3A_451 = arith.cmpi ne, %add3A_236, %add3A_255 : i32
        %ne3A_452 = arith.cmpi ne, %add3A_234, %add3A_253 : i32
        %or3A_453 = arith.constant false
        %or3A_454 = arith.ori %or3A_453, %ne3A_451 : i1
        %or3A_455 = arith.ori %or3A_454, %ne3A_452 : i1
        %not3A_456 = arith.constant true
        %not3A_457 = arith.xori %eq3A_230, %not3A_456 : i1
        %and3A_458 = arith.andi %or3A_455, %not3A_457 : i1
        %convert_element_type3A_459 = arith.extui %and3A_458 : i1 to i32
        %cond3A_460 = arith.constant 0 : i32
        %cond3A_461 = arith.cmpi ne, %convert_element_type3A_459, %cond3A_460 : i32
        scf.if %cond3A_461 {
        } else {
        }
        %and3A_462 = arith.constant false
        %and3A_463 = arith.andi %and3A_458, %and3A_462 : i1
        %ne3A_464 = arith.cmpi ne, %add3A_236, %add3A_255 : i32
        %ne3A_465 = arith.cmpi ne, %add3A_234, %add3A_253 : i32
        %or3A_466 = arith.constant false
        %or3A_467 = arith.ori %or3A_466, %ne3A_464 : i1
        %or3A_468 = arith.ori %or3A_467, %ne3A_465 : i1
        %not3A_469 = arith.constant true
        %not3A_470 = arith.xori %eq3A_230, %not3A_469 : i1
        %and3A_471 = arith.andi %or3A_468, %not3A_470 : i1
        %convert_element_type3A_472 = arith.extui %and3A_471 : i1 to i32
        %cond3A_473 = arith.constant 0 : i32
        %cond3A_474 = arith.cmpi ne, %convert_element_type3A_472, %cond3A_473 : i32
        scf.if %cond3A_474 {
        } else {
        }
        %and3A_475 = arith.constant false
        %and3A_476 = arith.andi %and3A_471, %and3A_475 : i1
        %ne3A_477 = arith.cmpi ne, %add3A_234, %add3A_253 : i32
        %ne3A_478 = arith.cmpi ne, %add3A_236, %add3A_255 : i32
        %or3A_479 = arith.constant false
        %or3A_480 = arith.ori %or3A_479, %ne3A_477 : i1
        %or3A_481 = arith.ori %or3A_480, %ne3A_478 : i1
        %not3A_482 = arith.constant true
        %not3A_483 = arith.xori %eq3A_230, %not3A_482 : i1
        %and3A_484 = arith.andi %or3A_481, %not3A_483 : i1
        %convert_element_type3A_485 = arith.extui %and3A_484 : i1 to i32
        %cond3A_486 = arith.constant 0 : i32
        %cond3A_487 = arith.cmpi ne, %convert_element_type3A_485, %cond3A_486 : i32
        scf.if %cond3A_487 {
          "tpu.trace_start"() <{level = 10 : i32, message = "ep_wait_out"}> : () -> ()
          %rem3A_527 = arith.constant 2 : i32
          %rem3A_528 = arith.remui %scan3A_226, %rem3A_527 : i32
          %mul3A_529 = arith.constant 128 : i32
          %mul3A_530 = arith.muli %mul3A_529, %add3A_253 : i32
          %mul3A_531 = arith.constant 128 : i32
          %mul3A_532 = arith.muli %mul3A_531, %add3A_255 : i32
          %dma_wait3A_533 = arith.constant 0 : i32
          %dma_wait3A_534 = arith.constant 0 : i32
          %dma_wait3A_535 = tpu.memref_slice %run_scoped3A_10[%rem3A_528, %dma_wait3A_533, %dma_wait3A_534] : memref<2x128x128xf32, #tpu.memory_space<vmem>> -> memref<1x128x128xf32, #tpu.memory_space<vmem>>
          %dma_wait3A_536 = tpu.memref_squeeze %dma_wait3A_535 : memref<1x128x128xf32, #tpu.memory_space<vmem>> -> memref<128x128xf32, #tpu.memory_space<vmem>>
          %dma_wait3A_537 = tpu.memref_slice %arg5[%mul3A_530, %mul3A_532] : memref<4096x1024xf32, #tpu.memory_space<hbm>> -> memref<128x128xf32, #tpu.memory_space<hbm>>
          %dma_wait3A_538 = tpu.memref_slice %run_scoped3A_11[%rem3A_528] : memref<2x!tpu.dma_semaphore, #tpu.memory_space<semaphore_mem>> -> memref<1x!tpu.dma_semaphore, #tpu.memory_space<semaphore_mem>>
          %dma_wait3A_539 = tpu.memref_squeeze %dma_wait3A_538 : memref<1x!tpu.dma_semaphore, #tpu.memory_space<semaphore_mem>> -> memref<!tpu.dma_semaphore, #tpu.memory_space<semaphore_mem>>
          %dma_wait3A_540 = tpu.memref_slice %arg5[%mul3A_530, %mul3A_532] : memref<4096x1024xf32, #tpu.memory_space<hbm>> -> memref<128x128xf32, #tpu.memory_space<hbm>>
          %dma_wait3A_541 = arith.constant 0 : i32
          %dma_wait3A_542 = arith.constant 0 : i32
          %dma_wait3A_543 = tpu.memref_slice %run_scoped3A_10[%rem3A_528, %dma_wait3A_541, %dma_wait3A_542] : memref<2x128x128xf32, #tpu.memory_space<vmem>> -> memref<1x128x128xf32, #tpu.memory_space<vmem>>
          %dma_wait3A_544 = tpu.memref_squeeze %dma_wait3A_543 : memref<1x128x128xf32, #tpu.memory_space<vmem>> -> memref<128x128xf32, #tpu.memory_space<vmem>>
          tpu.wait_dma2 semaphore(%dma_wait3A_539 : memref<!tpu.dma_semaphore, #tpu.memory_space<semaphore_mem>>) src(%dma_wait3A_544 : memref<128x128xf32, #tpu.memory_space<vmem>>) dst(%dma_wait3A_540 : memref<128x128xf32, #tpu.memory_space<hbm>>)
          "tpu.trace_stop"() : () -> ()
        } else {
        }
        %and3A_488 = arith.constant true
        %and3A_489 = arith.andi %and3A_484, %and3A_488 : i1
        %add3A_490 = arith.constant 1 : i32
        %add3A_491 = arith.addi %scan3A_226, %add3A_490 : i32
        %select_n3A_492 = arith.select %and3A_489, %add3A_491, %scan3A_226 : i32
        %ne3A_493 = arith.cmpi ne, %add3A_236, %add3A_274 : i32
        %ne3A_494 = arith.cmpi ne, %add3A_234, %add3A_272 : i32
        %or3A_495 = arith.constant false
        %or3A_496 = arith.ori %or3A_495, %ne3A_493 : i1
        %or3A_497 = arith.ori %or3A_496, %ne3A_494 : i1
        %or3A_498 = arith.ori %or3A_497, %eq3A_232 : i1
        %add3A_499 = arith.constant 1 : i32
        %add3A_500 = arith.addi %scan3A_222, %add3A_499 : i32
        %select_n3A_501 = arith.select %or3A_498, %add3A_500, %scan3A_222 : i32
        %ne3A_502 = arith.cmpi ne, %add3A_236, %add3A_274 : i32
        %ne3A_503 = arith.cmpi ne, %add3A_234, %add3A_272 : i32
        %or3A_504 = arith.constant false
        %or3A_505 = arith.ori %or3A_504, %ne3A_502 : i1
        %or3A_506 = arith.ori %or3A_505, %ne3A_503 : i1
        %or3A_507 = arith.ori %or3A_506, %eq3A_232 : i1
        %add3A_508 = arith.constant 1 : i32
        %add3A_509 = arith.addi %scan3A_224, %add3A_508 : i32
        %select_n3A_510 = arith.select %or3A_507, %add3A_509, %scan3A_224 : i32
        %add3A_511 = arith.constant 1 : i32
        %add3A_512 = arith.addi %scan3A_228, %add3A_511 : i32
        %select_n3A_513 = arith.constant true
        %select_n3A_514 = arith.select %select_n3A_513, %add3A_512, %scan3A_228 : i32
        %eq3A_515 = arith.constant 8 : i32
        %eq3A_516 = arith.cmpi eq, %select_n3A_514, %eq3A_515 : i32
        %select_n3A_517 = arith.constant 0 : i32
        %select_n3A_518 = arith.select %eq3A_516, %select_n3A_517, %select_n3A_514 : i32
        %select_n3A_519 = arith.constant 0 : i32
        %select_n3A_520 = arith.constant 1 : i32
        %select_n3A_521 = arith.select %eq3A_516, %select_n3A_520, %select_n3A_519 : i32
        %eq3A_522 = arith.constant 1 : i32
        %eq3A_523 = arith.cmpi eq, %select_n3A_521, %eq3A_522 : i32
        %select_n3A_524 = arith.constant 0 : i32
        %select_n3A_525 = arith.select %eq3A_523, %select_n3A_524, %select_n3A_521 : i32
        %scan3A_526 = arith.constant 0 : i32
        scf.yield %select_n3A_304, %select_n3A_501, %select_n3A_322, %select_n3A_510, %select_n3A_450, %select_n3A_492, %scan3A_526, %select_n3A_518 : i32, i32, i32, i32, i32, i32, i32, i32
      }
      %scan3A_127 = arith.constant 8 : i32
      %sub3A = arith.constant 1 : i32
      %sub3A_128 = arith.subi %scan3A_126#7, %sub3A : i32
      %select_n3A_129 = arith.constant true
      %select_n3A_130 = arith.select %select_n3A_129, %sub3A_128, %scan3A_126#7 : i32
      %eq3A_131 = arith.constant -1 : i32
      %eq3A_132 = arith.cmpi eq, %select_n3A_130, %eq3A_131 : i32
      %select_n3A_133 = arith.constant 7 : i32
      %select_n3A_134 = arith.select %eq3A_132, %select_n3A_133, %select_n3A_130 : i32
      %sub3A_135 = arith.constant 1 : i32
      %sub3A_136 = arith.subi %scan3A_126#6, %sub3A_135 : i32
      %select_n3A_137 = arith.select %eq3A_132, %sub3A_136, %scan3A_126#6 : i32
      %eq3A_138 = arith.constant -1 : i32
      %eq3A_139 = arith.cmpi eq, %select_n3A_137, %eq3A_138 : i32
      %select_n3A_140 = arith.constant 0 : i32
      %select_n3A_141 = arith.select %eq3A_139, %select_n3A_140, %select_n3A_137 : i32
      %add3A_142 = arith.constant 0 : i32
      %add3A_143 = arith.addi %add3A_142, %mul3A_6 : i32
      %add3A_144 = arith.constant 0 : i32
      %add3A_145 = arith.addi %select_n3A_134, %add3A_144 : i32
      %sub3A_146 = arith.constant 1 : i32
      %sub3A_147 = arith.subi %select_n3A_134, %sub3A_146 : i32
      %select_n3A_148 = arith.constant true
      %select_n3A_149 = arith.select %select_n3A_148, %sub3A_147, %select_n3A_134 : i32
      %eq3A_150 = arith.constant -1 : i32
      %eq3A_151 = arith.cmpi eq, %select_n3A_149, %eq3A_150 : i32
      %select_n3A_152 = arith.constant 7 : i32
      %select_n3A_153 = arith.select %eq3A_151, %select_n3A_152, %select_n3A_149 : i32
      %select_n3A_154 = arith.constant 0 : i32
      %select_n3A_155 = arith.constant -1 : i32
      %select_n3A_156 = arith.select %eq3A_151, %select_n3A_155, %select_n3A_154 : i32
      %eq3A_157 = arith.constant -1 : i32
      %eq3A_158 = arith.cmpi eq, %select_n3A_156, %eq3A_157 : i32
      %select_n3A_159 = arith.constant 0 : i32
      %select_n3A_160 = arith.select %eq3A_158, %select_n3A_159, %select_n3A_156 : i32
      %add3A_161 = arith.constant 0 : i32
      %add3A_162 = arith.addi %add3A_161, %mul3A_6 : i32
      %add3A_163 = arith.constant 0 : i32
      %add3A_164 = arith.addi %select_n3A_153, %add3A_163 : i32
      %add3A_165 = arith.constant 1 : i32
      %add3A_166 = arith.addi %select_n3A_134, %add3A_165 : i32
      %select_n3A_167 = arith.constant true
      %select_n3A_168 = arith.select %select_n3A_167, %add3A_166, %select_n3A_134 : i32
      %eq3A_169 = arith.constant 8 : i32
      %eq3A_170 = arith.cmpi eq, %select_n3A_168, %eq3A_169 : i32
      %select_n3A_171 = arith.constant 0 : i32
      %select_n3A_172 = arith.select %eq3A_170, %select_n3A_171, %select_n3A_168 : i32
      %select_n3A_173 = arith.constant 0 : i32
      %select_n3A_174 = arith.constant 1 : i32
      %select_n3A_175 = arith.select %eq3A_170, %select_n3A_174, %select_n3A_173 : i32
      %eq3A_176 = arith.constant 1 : i32
      %eq3A_177 = arith.cmpi eq, %select_n3A_175, %eq3A_176 : i32
      %select_n3A_178 = arith.constant 0 : i32
      %select_n3A_179 = arith.select %eq3A_177, %select_n3A_178, %select_n3A_175 : i32
      %add3A_180 = arith.constant 0 : i32
      %add3A_181 = arith.addi %add3A_180, %mul3A_6 : i32
      %add3A_182 = arith.constant 0 : i32
      %add3A_183 = arith.addi %select_n3A_172, %add3A_182 : i32
      %add3A_184 = arith.constant 1 : i32
      %add3A_185 = arith.addi %select_n3A_172, %add3A_184 : i32
      %select_n3A_186 = arith.constant true
      %select_n3A_187 = arith.select %select_n3A_186, %add3A_185, %select_n3A_172 : i32
      %eq3A_188 = arith.constant 8 : i32
      %eq3A_189 = arith.cmpi eq, %select_n3A_187, %eq3A_188 : i32
      %select_n3A_190 = arith.constant 0 : i32
      %select_n3A_191 = arith.select %eq3A_189, %select_n3A_190, %select_n3A_187 : i32
      %select_n3A_192 = arith.constant 0 : i32
      %select_n3A_193 = arith.constant 1 : i32
      %select_n3A_194 = arith.select %eq3A_189, %select_n3A_193, %select_n3A_192 : i32
      %eq3A_195 = arith.constant 1 : i32
      %eq3A_196 = arith.cmpi eq, %select_n3A_194, %eq3A_195 : i32
      %select_n3A_197 = arith.constant 0 : i32
      %select_n3A_198 = arith.select %eq3A_196, %select_n3A_197, %select_n3A_194 : i32
      %add3A_199 = arith.constant 0 : i32
      %add3A_200 = arith.addi %add3A_199, %mul3A_6 : i32
      %add3A_201 = arith.constant 0 : i32
      %add3A_202 = arith.addi %select_n3A_191, %add3A_201 : i32
      "tpu.trace_start"() <{level = 10 : i32, message = "ep_finalize"}> : () -> ()
      %rem3A_203 = arith.constant 2 : i32
      %rem3A_204 = arith.remui %scan3A_126#5, %rem3A_203 : i32
      %mul3A_205 = arith.constant 128 : i32
      %mul3A_206 = arith.muli %mul3A_205, %add3A_143 : i32
      %mul3A_207 = arith.constant 128 : i32
      %mul3A_208 = arith.muli %mul3A_207, %add3A_145 : i32
      %dma_wait3A = arith.constant 0 : i32
      %dma_wait3A_209 = arith.constant 0 : i32
      %dma_wait3A_210 = tpu.memref_slice %run_scoped3A_10[%rem3A_204, %dma_wait3A, %dma_wait3A_209] : memref<2x128x128xf32, #tpu.memory_space<vmem>> -> memref<1x128x128xf32, #tpu.memory_space<vmem>>
      %dma_wait3A_211 = tpu.memref_squeeze %dma_wait3A_210 : memref<1x128x128xf32, #tpu.memory_space<vmem>> -> memref<128x128xf32, #tpu.memory_space<vmem>>
      %dma_wait3A_212 = tpu.memref_slice %arg5[%mul3A_206, %mul3A_208] : memref<4096x1024xf32, #tpu.memory_space<hbm>> -> memref<128x128xf32, #tpu.memory_space<hbm>>
      %dma_wait3A_213 = tpu.memref_slice %run_scoped3A_11[%rem3A_204] : memref<2x!tpu.dma_semaphore, #tpu.memory_space<semaphore_mem>> -> memref<1x!tpu.dma_semaphore, #tpu.memory_space<semaphore_mem>>
      %dma_wait3A_214 = tpu.memref_squeeze %dma_wait3A_213 : memref<1x!tpu.dma_semaphore, #tpu.memory_space<semaphore_mem>> -> memref<!tpu.dma_semaphore, #tpu.memory_space<semaphore_mem>>
      %dma_wait3A_215 = tpu.memref_slice %arg5[%mul3A_206, %mul3A_208] : memref<4096x1024xf32, #tpu.memory_space<hbm>> -> memref<128x128xf32, #tpu.memory_space<hbm>>
      %dma_wait3A_216 = arith.constant 0 : i32
      %dma_wait3A_217 = arith.constant 0 : i32
      %dma_wait3A_218 = tpu.memref_slice %run_scoped3A_10[%rem3A_204, %dma_wait3A_216, %dma_wait3A_217] : memref<2x128x128xf32, #tpu.memory_space<vmem>> -> memref<1x128x128xf32, #tpu.memory_space<vmem>>
      %dma_wait3A_219 = tpu.memref_squeeze %dma_wait3A_218 : memref<1x128x128xf32, #tpu.memory_space<vmem>> -> memref<128x128xf32, #tpu.memory_space<vmem>>
      tpu.wait_dma2 semaphore(%dma_wait3A_214 : memref<!tpu.dma_semaphore, #tpu.memory_space<semaphore_mem>>) src(%dma_wait3A_219 : memref<128x128xf32, #tpu.memory_space<vmem>>) dst(%dma_wait3A_215 : memref<128x128xf32, #tpu.memory_space<hbm>>)
      "tpu.trace_stop"() : () -> ()
      tpu.yield
    }) : () -> ()
    return
  }
}

module attributes {stable_mosaic.version = 14 : i64} {
  func.func @_ffn_kernel(%arg0: i32, %arg1: i32, %arg2: memref<23xi32, #tpu.memory_space<smem>>, %arg3: memref<1xi32, #tpu.memory_space<smem>>, %arg4: memref<512x1024xbf16, #tpu.memory_space<vmem>>, %arg5: memref<1x512x1024xf32, #tpu.memory_space<vmem>>, %arg6: memref<1x512x1024xf32, #tpu.memory_space<vmem>>, %arg7: memref<1x1024x512xf32, #tpu.memory_space<vmem>>, %arg8: memref<512x1xf32, #tpu.memory_space<vmem>>, %arg9: memref<4096x128xf32, #tpu.memory_space<vmem>>, %arg10: memref<512x1024xf32, #tpu.memory_space<vmem>>) attributes {dimension_semantics = [#tpu.dimension_semantics<arbitrary>, #tpu.dimension_semantics<arbitrary>], iteration_bounds = array<i64: 23, 8>, scalar_prefetch = 2 : i64, scratch_operands = 1 : i64, tpu.core_type = #tpu.core_type<tc>, window_params = [{transform_indices = @transform_0, window_bounds = array<i64: 512, 1024>}, {transform_indices = @transform_1, window_bounds = array<i64: 1, 512, 1024>}, {transform_indices = @transform_2, window_bounds = array<i64: 1, 512, 1024>}, {transform_indices = @transform_3, window_bounds = array<i64: 1, 1024, 512>}, {transform_indices = @transform_4, window_bounds = array<i64: 512, 1>}, {transform_indices = @transform_5, window_bounds = array<i64: 4096, 128>}]} {
    %get3A = arith.constant 0 : index
    %get3A_0 = memref.load %arg3[%get3A] : memref<1xi32, #tpu.memory_space<smem>>
    %lt3A = arith.cmpi slt, %arg0, %get3A_0 : i32
    %convert_element_type3A = arith.extui %lt3A : i1 to i32
    %cond3A = arith.constant 0 : i32
    %cond3A_1 = arith.cmpi ne, %convert_element_type3A, %cond3A : i32
    scf.if %cond3A_1 {
      %get3A_2 = arith.constant 0 : index
      %get3A_3 = arith.constant 0 : index
      %get3A_4 = vector.load %arg4[%get3A_2, %get3A_3] : memref<512x1024xbf16, #tpu.memory_space<vmem>>, vector<512x1024xbf16>
      %get3A_5 = arith.constant 0 : index
      %get3A_6 = arith.constant 0 : index
      %get3A_7 = arith.constant 0 : index
      %get3A_8 = vector.load %arg5[%get3A_5, %get3A_6, %get3A_7] : memref<1x512x1024xf32, #tpu.memory_space<vmem>>, vector<1x512x1024xf32>
      %get3A_9 = vector.shape_cast %get3A_8 : vector<1x512x1024xf32> to vector<512x1024xf32>
      %convert_element_type3A_10 = arith.truncf %get3A_9 : vector<512x1024xf32> to vector<512x1024xbf16>
      %dot_general3A = arith.constant dense<0.000000e+00> : vector<512x512xf32>
      %dot_general3A_11 = tpu.matmul %get3A_4, %convert_element_type3A_10, %dot_general3A {dimension_numbers = #tpu.dot_dimension_numbers<[1], [1], [0], [0], [0, 0, 1, 0], [], []>, transpose_lhs_hint = false} : vector<512x1024xbf16>, vector<512x1024xbf16>, vector<512x512xf32> -> vector<512x512xf32>
      %get3A_12 = arith.constant 0 : index
      %get3A_13 = arith.constant 0 : index
      %get3A_14 = arith.constant 0 : index
      %get3A_15 = vector.load %arg6[%get3A_12, %get3A_13, %get3A_14] : memref<1x512x1024xf32, #tpu.memory_space<vmem>>, vector<1x512x1024xf32>
      %get3A_16 = vector.shape_cast %get3A_15 : vector<1x512x1024xf32> to vector<512x1024xf32>
      %convert_element_type3A_17 = arith.truncf %get3A_16 : vector<512x1024xf32> to vector<512x1024xbf16>
      %dot_general3A_18 = arith.constant dense<0.000000e+00> : vector<512x512xf32>
      %dot_general3A_19 = tpu.matmul %get3A_4, %convert_element_type3A_17, %dot_general3A_18 {dimension_numbers = #tpu.dot_dimension_numbers<[1], [1], [0], [0], [0, 0, 1, 0], [], []>, transpose_lhs_hint = false} : vector<512x1024xbf16>, vector<512x1024xbf16>, vector<512x512xf32> -> vector<512x512xf32>
      %logistic3A = arith.negf %dot_general3A_11 : vector<512x512xf32>
      %logistic3A_20 = math.exp %logistic3A : vector<512x512xf32>
      %logistic3A_21 = arith.constant 1.000000e+00 : f32
      %logistic3A_22 = vector.broadcast %logistic3A_21 : f32 to vector<512x512xf32>
      %logistic3A_23 = arith.addf %logistic3A_22, %logistic3A_20 : vector<512x512xf32>
      %logistic3A_24 = arith.divf %logistic3A_22, %logistic3A_23 : vector<512x512xf32>
      %mul3A = arith.mulf %dot_general3A_11, %logistic3A_24 : vector<512x512xf32>
      %mul3A_25 = arith.mulf %mul3A, %dot_general3A_19 : vector<512x512xf32>
      %convert_element_type3A_26 = arith.truncf %mul3A_25 : vector<512x512xf32> to vector<512x512xbf16>
      %get3A_27 = arith.constant 0 : index
      %get3A_28 = arith.constant 0 : index
      %get3A_29 = arith.constant 0 : index
      %get3A_30 = vector.load %arg7[%get3A_27, %get3A_28, %get3A_29] : memref<1x1024x512xf32, #tpu.memory_space<vmem>>, vector<1x1024x512xf32>
      %get3A_31 = vector.shape_cast %get3A_30 : vector<1x1024x512xf32> to vector<1024x512xf32>
      %convert_element_type3A_32 = arith.truncf %get3A_31 : vector<1024x512xf32> to vector<1024x512xbf16>
      %dot_general3A_33 = arith.constant dense<0.000000e+00> : vector<512x1024xf32>
      %dot_general3A_34 = tpu.matmul %convert_element_type3A_26, %convert_element_type3A_32, %dot_general3A_33 {dimension_numbers = #tpu.dot_dimension_numbers<[1], [1], [0], [0], [0, 0, 1, 0], [], []>, transpose_lhs_hint = false} : vector<512x512xbf16>, vector<1024x512xbf16>, vector<512x1024xf32> -> vector<512x1024xf32>
      %eq3A = arith.constant 0 : i32
      %eq3A_35 = arith.cmpi eq, %arg1, %eq3A : i32
      %convert_element_type3A_36 = arith.extui %eq3A_35 : i1 to i32
      %cond3A_37 = arith.constant 0 : i32
      %cond3A_38 = arith.cmpi ne, %convert_element_type3A_36, %cond3A_37 : i32
      scf.if %cond3A_38 {
        %swap3A = arith.constant 0 : index
        %swap3A_48 = arith.constant 0 : index
        %swap3A_49 = vector.load %arg10[%swap3A, %swap3A_48] : memref<512x1024xf32, #tpu.memory_space<vmem>>, vector<512x1024xf32>
        tpu.vector_store %arg10[%swap3A, %swap3A_48], %dot_general3A_34 {strides = array<i32>} : memref<512x1024xf32, #tpu.memory_space<vmem>>, vector<512x1024xf32>,
      } else {
      }
      %gt3A = arith.constant 0 : i32
      %gt3A_39 = arith.cmpi sgt, %arg1, %gt3A : i32
      %convert_element_type3A_40 = arith.extui %gt3A_39 : i1 to i32
      %cond3A_41 = arith.constant 0 : i32
      %cond3A_42 = arith.cmpi ne, %convert_element_type3A_40, %cond3A_41 : i32
      scf.if %cond3A_42 {
        %get3A_48 = arith.constant 0 : index
        %get3A_49 = arith.constant 0 : index
        %get3A_50 = vector.load %arg10[%get3A_48, %get3A_49] : memref<512x1024xf32, #tpu.memory_space<vmem>>, vector<512x1024xf32>
        %add3A = arith.addf %get3A_50, %dot_general3A_34 : vector<512x1024xf32>
        %swap3A = arith.constant 0 : index
        %swap3A_51 = arith.constant 0 : index
        %swap3A_52 = vector.load %arg10[%swap3A, %swap3A_51] : memref<512x1024xf32, #tpu.memory_space<vmem>>, vector<512x1024xf32>
        tpu.vector_store %arg10[%swap3A, %swap3A_51], %add3A {strides = array<i32>} : memref<512x1024xf32, #tpu.memory_space<vmem>>, vector<512x1024xf32>,
      } else {
      }
      %eq3A_43 = arith.constant 7 : i32
      %eq3A_44 = arith.cmpi eq, %arg1, %eq3A_43 : i32
      %convert_element_type3A_45 = arith.extui %eq3A_44 : i1 to i32
      %cond3A_46 = arith.constant 0 : i32
      %cond3A_47 = arith.cmpi ne, %convert_element_type3A_45, %cond3A_46 : i32
      scf.if %cond3A_47 {
        %get3A_48 = arith.constant 0 : index
        %get3A_49 = arith.constant 0 : index
        %get3A_50 = vector.load %arg10[%get3A_48, %get3A_49] : memref<512x1024xf32, #tpu.memory_space<vmem>>, vector<512x1024xf32>
        %get3A_51 = arith.constant 0 : index
        %get3A_52 = arith.constant 0 : index
        %get3A_53 = vector.load %arg8[%get3A_51, %get3A_52] : memref<512x1xf32, #tpu.memory_space<vmem>>, vector<512x1xf32>
        %mul3A_54 = vector.broadcast %get3A_53 : vector<512x1xf32> to vector<512x1024xf32>
        %mul3A_55 = arith.mulf %get3A_50, %mul3A_54 : vector<512x1024xf32>
        %reshape3A = vector.shape_cast %mul3A_55 : vector<512x1024xf32> to vector<4096x128xf32>
        %swap3A = arith.constant 0 : index
        %swap3A_56 = arith.constant 0 : index
        %swap3A_57 = vector.load %arg9[%swap3A, %swap3A_56] : memref<4096x128xf32, #tpu.memory_space<vmem>>, vector<4096x128xf32>
        tpu.vector_store %arg9[%swap3A, %swap3A_56], %reshape3A {strides = array<i32>} : memref<4096x128xf32, #tpu.memory_space<vmem>>, vector<4096x128xf32>,
      } else {
      }
    } else {
    }
    return
  }
  func.func @transform_0(%arg0: i32, %arg1: i32, %arg2: memref<23xi32, #tpu.memory_space<smem>>, %arg3: memref<1xi32, #tpu.memory_space<smem>>) -> (i32, i32) {
    %get3A = arith.constant 0 : index
    %get3A_0 = memref.load %arg3[%get3A] : memref<1xi32, #tpu.memory_space<smem>>
    %lt3A = arith.cmpi slt, %arg0, %get3A_0 : i32
    %get3A_1 = arith.constant 0 : index
    %get3A_2 = memref.load %arg3[%get3A_1] : memref<1xi32, #tpu.memory_space<smem>>
    %min3A = arith.constant 22 : i32
    %min3A_3 = arith.minsi %get3A_2, %min3A : i32
    %select_n3A = arith.select %lt3A, %arg0, %min3A_3 : i32
    %c0_i32 = arith.constant 0 : i32
    %c0_i32_4 = arith.constant 0 : i32
    return %select_n3A, %c0_i32 : i32, i32
  }
  func.func @transform_1(%arg0: i32, %arg1: i32, %arg2: memref<23xi32, #tpu.memory_space<smem>>, %arg3: memref<1xi32, #tpu.memory_space<smem>>) -> (i32, i32, i32) {
    %get3A = arith.index_cast %arg0 : i32 to index
    %get3A_0 = memref.load %arg2[%get3A] : memref<23xi32, #tpu.memory_space<smem>>
    %get3A_1 = arith.constant 0 : index
    %get3A_2 = memref.load %arg3[%get3A_1] : memref<1xi32, #tpu.memory_space<smem>>
    %lt3A = arith.cmpi slt, %arg0, %get3A_2 : i32
    %jit3A = arith.constant 0 : i32
    %select_n3A = arith.select %lt3A, %arg1, %jit3A : i32
    %c0_i32 = arith.constant 0 : i32
    %c0_i32_3 = arith.constant 0 : i32
    return %get3A_0, %select_n3A, %c0_i32 : i32, i32, i32
  }
  func.func @transform_2(%arg0: i32, %arg1: i32, %arg2: memref<23xi32, #tpu.memory_space<smem>>, %arg3: memref<1xi32, #tpu.memory_space<smem>>) -> (i32, i32, i32) {
    %get3A = arith.index_cast %arg0 : i32 to index
    %get3A_0 = memref.load %arg2[%get3A] : memref<23xi32, #tpu.memory_space<smem>>
    %get3A_1 = arith.constant 0 : index
    %get3A_2 = memref.load %arg3[%get3A_1] : memref<1xi32, #tpu.memory_space<smem>>
    %lt3A = arith.cmpi slt, %arg0, %get3A_2 : i32
    %jit3A = arith.constant 0 : i32
    %select_n3A = arith.select %lt3A, %arg1, %jit3A : i32
    %c0_i32 = arith.constant 0 : i32
    %c0_i32_3 = arith.constant 0 : i32
    return %get3A_0, %select_n3A, %c0_i32 : i32, i32, i32
  }
  func.func @transform_3(%arg0: i32, %arg1: i32, %arg2: memref<23xi32, #tpu.memory_space<smem>>, %arg3: memref<1xi32, #tpu.memory_space<smem>>) -> (i32, i32, i32) {
    %get3A = arith.index_cast %arg0 : i32 to index
    %get3A_0 = memref.load %arg2[%get3A] : memref<23xi32, #tpu.memory_space<smem>>
    %get3A_1 = arith.constant 0 : index
    %get3A_2 = memref.load %arg3[%get3A_1] : memref<1xi32, #tpu.memory_space<smem>>
    %lt3A = arith.cmpi slt, %arg0, %get3A_2 : i32
    %jit3A = arith.constant 0 : i32
    %select_n3A = arith.select %lt3A, %arg1, %jit3A : i32
    %c0_i32 = arith.constant 0 : i32
    %c0_i32_3 = arith.constant 0 : i32
    return %get3A_0, %c0_i32, %select_n3A : i32, i32, i32
  }
  func.func @transform_4(%arg0: i32, %arg1: i32, %arg2: memref<23xi32, #tpu.memory_space<smem>>, %arg3: memref<1xi32, #tpu.memory_space<smem>>) -> (i32, i32) {
    %get3A = arith.constant 0 : index
    %get3A_0 = memref.load %arg3[%get3A] : memref<1xi32, #tpu.memory_space<smem>>
    %lt3A = arith.cmpi slt, %arg0, %get3A_0 : i32
    %get3A_1 = arith.constant 0 : index
    %get3A_2 = memref.load %arg3[%get3A_1] : memref<1xi32, #tpu.memory_space<smem>>
    %min3A = arith.constant 22 : i32
    %min3A_3 = arith.minsi %get3A_2, %min3A : i32
    %select_n3A = arith.select %lt3A, %arg0, %min3A_3 : i32
    %c0_i32 = arith.constant 0 : i32
    %c0_i32_4 = arith.constant 0 : i32
    return %select_n3A, %c0_i32 : i32, i32
  }
  func.func @transform_5(%arg0: i32, %arg1: i32, %arg2: memref<23xi32, #tpu.memory_space<smem>>, %arg3: memref<1xi32, #tpu.memory_space<smem>>) -> (i32, i32) {
    %get3A = arith.constant 0 : index
    %get3A_0 = memref.load %arg3[%get3A] : memref<1xi32, #tpu.memory_space<smem>>
    %lt3A = arith.cmpi slt, %arg0, %get3A_0 : i32
    %get3A_1 = arith.constant 0 : index
    %get3A_2 = memref.load %arg3[%get3A_1] : memref<1xi32, #tpu.memory_space<smem>>
    %min3A = arith.constant 22 : i32
    %min3A_3 = arith.minsi %get3A_2, %min3A : i32
    %select_n3A = arith.select %lt3A, %arg0, %min3A_3 : i32
    %c0_i32 = arith.constant 0 : i32
    %c0_i32_4 = arith.constant 0 : i32
    return %select_n3A, %c0_i32 : i32, i32
  }
}

</mosaic_0001>

<sc_bundles>
// kernel: kernel.4.cloned.1.call-start
scs
__scs_entry_jumppad:
0x0: {  	(pc) =	sbr.rel $0x88, $3  }
0x1: {  	(tag) =	ssettag $0x0;
	lr =	simm.s32 $0x1  }
0x2: {  	[smem:$0x3F9C] =	sst lr;
	_ =	strace $0xD0000000  }
0x3: {  	_ = 	snop  }
0x4: {  	_ = 	snop  }
0x5: {  	_ = 	snop  }
0x6: {  	_ = 	snop  }
0x7: {  	_ = 	snop  }
__scs_overlays_trampoline_lowered:
0x8: {  	[smem:$0x3FAB] =	sst s0  }
0x9: {  	[smem:$0x3FAC] =	sst s1  }
0xa: {  	[smem:$0x3FAD] =	sst s2  }
0xb: {  	[smem:$0x3FAE] =	sst s3  }
0xc: {  	[smem:$0x3FAF] =	sst s4  }
0xd: {  	[smem:$0x3FB0] =	sst s5  }
0xe: {  	[smem:$0x3FB1] =	sst s6  }
0xf: {  	[smem:$0x3FB2] =	sst s7  }
0x10: {  	[smem:$0x3FB3] =	sst s8  }
0x11: {  	[smem:$0x3FB4] =	sst s9;
	s0 =	simm.s32 @!p0 $0x0  }
0x12: {  	s1 =	sld [smem:$0x3F9A];
	s0 =	simm.s32 @p0 $0x1  }
0x13: {  	[smem:$0x3FB5] =	sst s0;
	s0 =	simm.s32 @!p1 $0x0  }
0x14: {  	s2 =	sld [smem:$0x3F99];
	s0 =	simm.s32 @p1 $0x1  }
0x15: {  	[smem:$0x3FB6] =	sst s0;
	s0 =	simm.s32 @!p2 $0x0  }
0x16: {  	s3 =	sld [smem:$0x3FDB];
	s0 =	simm.s32 @p2 $0x1  }
0x17: {  	s4 =	simm.s32 $0x1BF5;
	[smem:$0x3FB8] =	sst s0  }
0x18: {  	s0 =	sld [smem:$0x3F9B];
	_ =	swait.ge [sflag:s4], $0x0  }
0x19: {  	s7 =	sld [smem:$0x3F9C]  }
0x1a: {  	s8 =	sadd.s32 $0xFFFFE003, lr  }
0x1b: {  	s9 =	sadd.s32 $0xFFFFFEF7, lr;
	s5 =	simm.s32 $0xFFFFFFFF;
	p2 =	slt.u32 s8, $0xFFFFF086  }
0x1c: {  	p1 =	slt.u32 s9, $0xF7A;
	s5 =	simm.s32 @!p2 $0x0  }
0x1d: {  	s5 =	simm.s32 @p1 $0x1;
	p0 =	seq.s32 s7, s2  }
0x1e: {  	s7 =	smul.u32 @!p0 $0xF7A, s2;
	p2 =	seq.s32 @!p0 s5, $0x0  }
0x1f: {  	s9 =	smul.u32 $0xF7A, s1;
	s8 =	simm.s32 @!p0 $0x1BF5;
	p2 =	por !p2, p0  }
0x20: {  	[sflag:s8] =	ssyncset.s32 @!p0 $0xFFFFF086;
	s6 =	sadd.s32 @!p0 s3, s7;
	s7 =	simm.s32 @!p0 $0x108  }
0x21: {  	s3 =	sadd.s32 s3, s9;
	s6 =	sadd.s32 @!p0 $0x88, s6;
	s7 =	simm.s32 @p2 $0x1082  }
0x22: {  	[simem:s7], [sflag:s8] =	dma.local @!p0 [hbm:s6], $0xF7A  }
0x23: {  	s9 =	sor.u32 $0xD0000000, s2;
	s6 =	simm.s32 $0x108;
	_ =	swait.ge @!p0 [sflag:s8], $0x0  }
0x24: {  	s3 =	sadd.s32 $0x88, s3;
	s6 =	simm.s32 @!p1 $0x1082;
	[sflag:s4] =	ssyncset.s32 $0xFFFFF086  }
0x25: {  	[simem:s6], [sflag:s4] =	dma.local [hbm:s3], $0xF7A  }
0x26: {  	[smem:$0x3F9C] =	sst s1;
	(tag) =	ssettag s2;
	_ =	strace s9  }
0x27: {  	s1 =	sld [smem:$0x3FAC]  }
0x28: {  	s2 =	sld [smem:$0x3FAD]  }
0x29: {  	s4 =	sld [smem:$0x3FAF]  }
0x2a: {  	p0 =	seq.s32 s5, $0x0;
	s5 =	sld [smem:$0x3FB0]  }
0x2b: {  	s6 =	sld [smem:$0x3FB1]  }
0x2c: {  	s7 =	sld [smem:$0x3FB2]  }
0x2d: {  	s3 =	simm.s32 $0x108;
	s8 =	sld [smem:$0x3FB3]  }
0x2e: {  	s3 =	simm.s32 @!p0 $0x1082;
	s9 =	sld [smem:$0x3FB4]  }
0x2f: {  	lr =	sadd.s32 s0, s3;
	s0 =	sld [smem:$0x3FAB]  }
0x30: {  	s3 =	sld [smem:$0x3FAE]  }
0x31: {  	[smem:$0x3FB7] =	sst s10  }
0x32: {  	s10 =	sld [smem:$0x3FB5];
	_ =	sdelay $0x3  }
0x33: {  	p0 =	seq.s32 s10, $0x1;
	s10 =	sld [smem:$0x3FB7];
	_ =	sdelay $0x3  }
0x34: {  	[smem:$0x3FB7] =	sst s10  }
0x35: {  	s10 =	sld [smem:$0x3FB6];
	_ =	sdelay $0x3  }
0x36: {  	p1 =	seq.s32 s10, $0x1;
	s10 =	sld [smem:$0x3FB7];
	_ =	sdelay $0x3  }
0x37: {  	[smem:$0x3FB7] =	sst s10  }
0x38: {  	s10 =	sld [smem:$0x3FB8]  }
0x39: {  	_ = 	snop;
	(pc) =	sbr.ind lr, $3  }
0x3a: {  	_ = 	snop  }
0x3b: {  	_ = 	snop  }
0x3c: {  	p2 =	seq.s32 s10, $0x1;
	s10 =	sld [smem:$0x3FB7]  }
0x3d: {  	_ =	shalt  }
0x3e: {  	_ =	shalt  }
0x3f: {  	_ =	shalt  }
0x40: {  	_ =	shalt  }
0x41: {  	_ =	shalt  }
0x42: {  	_ =	shalt  }
0x43: {  	_ =	shalt  }
0x44: {  	_ =	shalt  }
0x45: {  	_ =	shalt  }
0x46: {  	_ =	shalt  }
0x47: {  	_ =	shalt  }
0x48: {  	_ =	shalt  }
0x49: {  	_ =	shalt  }
0x4a: {  	_ =	shalt  }
0x4b: {  	_ =	shalt  }
0x4c: {  	_ =	shalt  }
0x4d: {  	_ =	shalt  }
0x4e: {  	_ =	shalt  }
0x4f: {  	_ =	shalt  }
0x50: {  	_ =	shalt  }
0x51: {  	_ =	shalt  }
0x52: {  	_ =	shalt  }
0x53: {  	_ =	shalt  }
0x54: {  	_ =	shalt  }
0x55: {  	_ =	shalt  }
0x56: {  	_ =	shalt  }
0x57: {  	_ =	shalt  }
0x58: {  	_ =	shalt  }
0x59: {  	_ =	shalt  }
0x5a: {  	_ =	shalt  }
0x5b: {  	_ =	shalt  }
0x5c: {  	_ =	shalt  }
0x5d: {  	_ =	shalt  }
0x5e: {  	_ =	shalt  }
0x5f: {  	_ =	shalt  }
0x60: {  	_ =	shalt  }
0x61: {  	_ =	shalt  }
0x62: {  	_ =	shalt  }
0x63: {  	_ =	shalt  }
0x64: {  	_ =	shalt  }
0x65: {  	_ =	shalt  }
0x66: {  	_ =	shalt  }
0x67: {  	_ =	shalt  }
0x68: {  	_ =	shalt  }
0x69: {  	_ =	shalt  }
0x6a: {  	_ =	shalt  }
0x6b: {  	_ =	shalt  }
0x6c: {  	_ =	shalt  }
0x6d: {  	_ =	shalt  }
0x6e: {  	_ =	shalt  }
0x6f: {  	_ =	shalt  }
0x70: {  	_ =	shalt  }
0x71: {  	_ =	shalt  }
0x72: {  	_ =	shalt  }
0x73: {  	_ =	shalt  }
0x74: {  	_ =	shalt  }
0x75: {  	_ =	shalt  }
0x76: {  	_ =	shalt  }
0x77: {  	_ =	shalt  }
0x78: {  	_ =	shalt  }
0x79: {  	_ =	shalt  }
0x7a: {  	_ =	shalt  }
0x7b: {  	_ =	shalt  }
0x7c: {  	_ =	shalt  }
0x7d: {  	_ =	shalt  }
0x7e: {  	_ =	shalt  }
0x7f: {  	_ =	shalt  }
0x80: {  	_ =	shalt  }
0x81: {  	_ =	shalt  }
0x82: {  	_ =	shalt  }
0x83: {  	_ =	shalt  }
0x84: {  	_ =	shalt  }
0x85: {  	_ =	shalt  }
0x86: {  	_ =	shalt  }
0x87: {  	_ =	shalt  }
.Lfunc_end0:
.L_simem_size_0:
called_computation_lowered:
.L_overlay_start_0:
0x88: {  	s2 =	sld [smem:$0x3FD9]  }
0x89: {  	s3 =	sld [smem:$0x3FFE];
	_ =	sdelay $0x1  }
0x8a: {  	s1 =	srdreg.scid  }
0x8b: {  	s0 =	sand.u32 $0x1, s1  }
0x8c: {  	s17 =	sshll.u32 s0, $0xA;
	s2 =	sadd.s32 s3, s2  }
0x8d: {  	s2 =	sadd.s32 s2, s17  }
0x8e: {  	[smem:$0x3FC3] =	sst s2  }
0x8f: {  	_ = 	snop  }
0x90: {  	s2 =	sld [smem:$0x3FD0];
	(tm) =	ssettm $0x1  }
0x91: {  	s18 =	sld [smem:$0x3FFB];
	_ =	sdelay $0x3  }
0x92: {  	_ =	strace s18  }
0x93: {  	s3 =	sld [smem:$0x3FFC];
	_ =	sdelay $0x3  }
0x94: {  	_ =	strace s3  }
0x95: {  	s3 =	sld [smem:$0x3FFD];
	_ =	sdelay $0x3  }
0x96: {  	_ =	strace s3  }
0x97: {  	_ =	strace $0x8FFFFFFF  }
0x98: {  	s19 =	sld [smem:$0x3FDB];
	_ =	sdelay $0x1  }
0x99: {  	s4 =	simm.s32 $_scs_section_size  }
0x9a: {  	s5 =	simm.s32 $_size__tile_overlayer_lowered;
	s6 =	simm.s32 $_tile_overlayer_lowered  }
0x9b: {  	s22 =	simm.s32 $0x1BFF;
	s21 =	sshll.u32 s6, $0x1;
	s3 =	sadd.s32 s4, s19  }
0x9c: {  	s7 =	simm.s32 $0x0;
	s20 =	sshll.u32 s5, $0x1;
	s5 =	sadd.s32 s21, s3  }
0x9d: {  	[timem:s7], [sflag:s22] =	dma.local [hbm:s5], s20  }
0x9e: {  	_ =	swait.ge [sflag:s22], s20  }
0x9f: {  	s4 =	ssub.s32 $0x0, s20;
	[sflag:s22] =	ssyncset.done $0x0  }
0xa0: {  	[sflag:s22] =	ssyncadd.s32 s4;
	_ =	sdelay $0x1  }
0xa1: {  	s23 =	simm.s32 $0x1B8B  }
0xa2: {  	_ =	swait.ge [sflag:s23], $0x1  }
0xa3: {  	[sflag:s23] =	ssyncset.done $0x0  }
0xa4: {  	s25 =	simm.s32 $0x1B8E;
	s24 =	sld [smem:$0x3FFE];
	[sflag:s23] =	ssyncadd.s32 $0xFFFFFFFF  }
0xa5: {  	s26 =	simm.s32 $execute0_lowered;
	[smem:$0x3FD2] =	sst s25  }
0xa6: {  	s5 =	sshll.u32 s26, $0x1;
	_ =	strace $0x80000046;
	[dreg:$0x1] =	wrdreg $0xFFFFFFFF  }
0xa7: {  	s28 =	simm.s32 $_size_execute0_lowered;
	s3 =	sadd.s32 s3, s5;
	[dreg:$0x0] =	wrdreg $0x0  }
0xa8: {  	s5 =	sshll.u32 s28, $0x1;
	[dreg:$0x2] =	wrdreg s3  }
0xa9: {  	[dreg:$0x3] =	wrdreg s5  }
0xaa: {  	[dreg:$0x4] =	wrdreg $0xC0  }
0xab: {  	_ =	task [dreg:s7], $0x5FFFF  }
0xac: {  	[dreg:$0x1] =	wrdreg $0xFFFFFFFF  }
0xad: {  	[dreg:$0x0] =	wrdreg $0x60  }
0xae: {  	[dreg:$0x2] =	wrdreg s24  }
0xaf: {  	[dreg:$0x3] =	wrdreg s2  }
0xb0: {  	[dreg:$0x4] =	wrdreg $0x9  }
0xb1: {  	_ =	task.clear_ibuf [dreg:s7], $0x5FFFF;
	_ =	strace $0x90000046  }
0xb2: {  	s29 =	simm.s32 $0x9;
	_ =	strace $0x80000051  }
0xb3: {  	_ =	swait.ge [sflag:s29], $0x1  }
0xb4: {  	[sflag:s29] =	ssyncadd.s32 $0xFFFFFFFF  }
0xb5: {  	_ =	strace $0x90000051  }
0xb6: {  	_ =	sfence  }
0xb7: {  	s30 =	sld [smem:$0x0];
	_ =	sdelay $0x2  }
0xb8: {  	s31 =	sshll.u32 s1, $0xD;
	s1 =	sshrl.u32 s1, $0x2  }
0xb9: {  	s3 =	sand.u32 $0x4000, s31;
	s1 =	sadd.s32 s1, s30  }
0xba: {  	s0 =	sor.u32 s3, s0;
	s1 =	sshll.u32 s1, $0x11  }
0xbb: {  	s0 =	sor.u32 s1, s0  }
0xbc: {  	s0 =	sadd.s32 $0x8F2B, s0  }
0xbd: {  	[sflag:s0] =	ssyncadd.remote.s32 $0x1  }
0xbe: {  	_ =	sfence.sel $0xFFFF  }
0xbf: {  	[dreg:$0x0] =	wrdreg $0xFFFFFFFF;
	(pc) =	sbr.abs _section_cstart, $3  }
0xc0: {  	[dreg:$0x1] =	wrdreg $0xFFFFFFFF  }
0xc1: {  	_ =	task.clear_ibuf [dreg:s7], $0x2FFFF;
	_ =	strace $0x9FFFFFFF  }
0xc2: {  	(tm) =	ssettm $0x7FFFFFFF  }
0xc3: {  	_ =	shalt  }
tec
execute0_lowered:
.L_overlay_start_1:
0x0: {  	(tag) =	ssettag $0x1  }
0x1: {  	s0 =	rddreg [dreg:$0x0]  }
0x2: {  	s1 =	rddreg [dreg:$0x1];
	s3 =	simm.s32 $0x0;
	s2 =	srdreg.scid  }
0x3: {  	s4 =	stileid.u32;
	s12 =	simm.s32 $0x8100;
	s13 =	simm.s32 $0x80  }
0x4: {  	s14 =	simm.s32 $0x4000;
	s15 =	simm.s32 $0x1;
	s16 =	simm.s32 $0x2  }
0x5: {  	s17 =	simm.s32 $0x8;
	s18 =	simm.s32 $0x0;
	[smem:$0x7FF] =	sst s3  }
0x6: {  	s2 =	sand.u32 $0x1, s2;
	s6 =	sshll.u32 s4, $0x7;
	s4 =	sadd.s32 $0xBA200, s0  }
0x7: {  	_ =	strace $0x80000047;
	s5 =	sshll.u32 s2, $0xB;
	s2 =	ssub.s32 $0x2, s2  }
0x8: {  	s5 =	sor.u32 s6, s5;
	s7 =	sshrl.u32 s2, $0x1;
	s6 =	sadd.s32 $0xB8200, s0  }
0x9: {  	s8 =	sadd.s32 s5, s0;
	s31 =	ssub.s32 s2, s7;
	s7 =	sshll.u32 s5, $0x3  }
0xa: {  	s9 =	sadd.s32 s6, s5;
	s8 =	sadd.s32 $0xB9200, s8;
	s10 =	smax.u32 s31, $0x1  }
.LBB2_1:
0xb: {  	_ =	strace $0x80000048;
	s0 =	simm.s32 $0x8000  }
0xc: {  	s28 =	simm.s32 $0x0;
	s19 =	simm.s32 $0x0;
	s20 =	simm.s32 $0x0  }
0xd: {  	[tilespmem:s0], [sflag:$0x3] =	stream.linear.gather [hbm4b:s8+s3], $0x80, $0x200038;
	[tilespmem:$0x10200] =	vst v63  }
0xe: {  	s21 =	simm.s32 $0x0;
	s22 =	simm.s32 $0x1;
	s23 =	simm.s32 $0x0  }
0xf: {  	[tilespmem:s12], [sflag:$0x5] =	stream.linear.gather [hbm4b:s9+s3], $0x80, $0x200038;
	[tilespmem:$0x10200] =	vst v63  }
0x10: {  	s24 =	simm.s32 $0x1;
	s25 =	simm.s32 $0x0;
	_ =	strace $0x90000048  }
.LBB2_2:
0x11: {  	s26 =	sadd.s32 $0x1, s28  }
0x12: {  	p0 =	seq.s32 s26, $0x8  }
0x13: {  	s26 =	simm.s32 @p0 $0x0;
	p0 =	seq.s32 s25, $0x7  }
0x14: {  	p1 =	seq.s32 @!p0 s28, s26  }
0x15: {  	p2 =	por p1, p0  }
0x16: {  	s2 =	sshll.u32 @!p2 s26, $0x7;
	s29 =	sshll.u32 @!p2 s26, $0xC  }
0x17: {  	s30 =	sand.u32 @!p2 $0x1, s24;
	s2 =	sand.u32 @!p2 $0x380, s2;
	s29 =	sand.u32 @!p2 $0xFFFF8000, s29  }
0x18: {  	_ =	strace @!p2 $0x80000049;
	s11 =	simm.s32 @!p2 $0x0;
	s2 =	sor.u32 @!p2 s2, s29  }
0x19: {  	s29 =	sshll.u32 @!p2 s30, $0x7;
	s30 =	sadd.s32 @!p2 $0x3, s30;
	s31 =	sshrl.u32 @!p2 s2, $0x3  }
0x1a: {  	s29 =	sor.u32 @!p2 $0x8000, s29;
	s2 =	sor.u32 @!p2 s7, s2;
	s31 =	sadd.s32 @!p2 s31, s8  }
0x1b: {  	[tilespmem:s29], [sflag:s30] =	stream.linear.gather @!p2 [hbm4b:s31+s11], $0x80, $0x200038;
	[tilespmem:$0x10200] =	vst v63  }
0x1c: {  	s2 =	sshrl.u32 @!p2 s2, $0x3;
	s29 =	sand.u32 @!p2 $0x1, s22  }
0x1d: {  	s2 =	sadd.s32 @!p2 s6, s2;
	_ =	strace @!p2 $0x90000049;
	s30 =	sshll.u32 @!p2 s29, $0x7  }
0x1e: {  	s29 =	sadd.s32 @!p2 $0x5, s29;
	_ =	strace @!p2 $0x8000004A;
	s30 =	sor.u32 @!p2 $0x8100, s30  }
0x1f: {  	[tilespmem:s30], [sflag:s29] =	stream.linear.gather @!p2 [hbm4b:s2+s11], $0x80, $0x200038;
	[tilespmem:$0x10200] =	vst v63  }
0x20: {  	s11 =	sand.u32 $0x1, s23;
	_ =	strace @!p2 $0x9000004A  }
0x21: {  	s2 =	sadd.s32 $0x3, s11;
	_ =	strace $0x8000004B  }
0x22: {  	_ =	swait.ge [sflag:s2], $0x80  }
0x23: {  	[sflag:s2] =	ssyncset.done $0x0  }
0x24: {  	[sflag:s2] =	ssyncadd.s32 $0xFFFFFF80  }
0x25: {  	s11 =	sand.u32 $0x1, s21;
	_ =	strace $0x9000004B  }
0x26: {  	s2 =	sadd.s32 $0x5, s11;
	_ =	strace $0x8000004C  }
0x27: {  	_ =	swait.ge [sflag:s2], $0x80  }
0x28: {  	[sflag:s2] =	ssyncset.done $0x0  }
0x29: {  	s11 =	sshll.u32 s23, $0x7;
	[sflag:s2] =	ssyncadd.s32 $0xFFFFFF80  }
0x2a: {  	s2 =	sand.u32 $0x80, s11;
	_ =	strace $0x9000004C  }
0x2b: {  	s11 =	simm.s32 $0x0;
	s2 =	sor.u32 $0x8000, s2;
	_ =	strace $0x8000004D  }
0x2c: {  	[tilespmem:s11], [sflag:$0x1] =	stream.indirect.gather [hbm4b:s4+s13], $0x80, s2, s13, $0x2000b8;
	[tilespmem:$0x10200] =	vst v63  }
0x2d: {  	s11 =	sshll.u32 s21, $0x7  }
0x2e: {  	s2 =	sand.u32 $0x80, s11  }
0x2f: {  	s2 =	sor.u32 $0x8100, s2  }
0x30: {  	[tilespmem:s14], [sflag:$0x2] =	stream.indirect.gather [hbm4b:s4+s13], $0x80, s2, s13, $0x2000b8;
	[tilespmem:$0x10200] =	vst v63  }
0x31: {  	_ =	swait.ge [sflag:s15], $0x4000  }
0x32: {  	[sflag:s15] =	ssyncset.done $0x0  }
0x33: {  	[sflag:s15] =	ssyncadd.s32 $0xFFFFC000  }
0x34: {  	_ =	swait.ge [sflag:s16], $0x4000  }
0x35: {  	[sflag:s16] =	ssyncset.done $0x0  }
0x36: {  	s30 =	simm.s32 $0x0;
	[sflag:s16] =	ssyncadd.s32 $0xFFFFC000  }
0x37: {  	s29 =	sand.u32 $0x1, s20;
	v1 =	vld [tilespmem:s30+$0x0]  }
0x38: {  	s2 =	sshll.u32 s29, $0xE;
	v2 =	vld [tilespmem:s30+$0x4000]  }
0x39: {  	s11 =	sor.u32 $0x8270, s2  }
0x3a: {  	v0 =	vmov s11;
	_ =	sdelay $0x2  }
0x3b: {  	v1 =	vadd.f32 v2, v1;
	_ =	sdelay $0x1  }
0x3c: {  	[tilespmem:v0+s30+$0xFFFFFF90 ss:$0x1] =	vst.idx.msk $0xffff, v1  }
0x3d: {  	v1 =	vld [tilespmem:s30+$0x10]  }
0x3e: {  	v2 =	vld [tilespmem:s30+$0x4010];
	_ =	sdelay $0x4  }
0x3f: {  	v1 =	vadd.f32 v2, v1;
	_ =	sdelay $0x1  }
0x40: {  	[tilespmem:v0+s30+$0xFFFFFFA0 ss:$0x1] =	vst.idx.msk $0xffff, v1  }
0x41: {  	v1 =	vld [tilespmem:s30+$0x20]  }
0x42: {  	v2 =	vld [tilespmem:s30+$0x4020];
	_ =	sdelay $0x4  }
0x43: {  	v1 =	vadd.f32 v2, v1;
	_ =	sdelay $0x1  }
0x44: {  	[tilespmem:v0+s30+$0xFFFFFFB0 ss:$0x1] =	vst.idx.msk $0xffff, v1  }
0x45: {  	v1 =	vld [tilespmem:s30+$0x30]  }
0x46: {  	v2 =	vld [tilespmem:s30+$0x4030];
	_ =	sdelay $0x4  }
0x47: {  	v1 =	vadd.f32 v2, v1;
	_ =	sdelay $0x1  }
0x48: {  	[tilespmem:v0+s30+$0xFFFFFFC0 ss:$0x1] =	vst.idx.msk $0xffff, v1  }
0x49: {  	v1 =	vld [tilespmem:s30+$0x40]  }
0x4a: {  	v2 =	vld [tilespmem:s30+$0x4040];
	_ =	sdelay $0x4  }
0x4b: {  	v1 =	vadd.f32 v2, v1;
	_ =	sdelay $0x1  }
0x4c: {  	[tilespmem:v0+s30+$0xFFFFFFD0 ss:$0x1] =	vst.idx.msk $0xffff, v1  }
0x4d: {  	v1 =	vld [tilespmem:s30+$0x50]  }
0x4e: {  	v2 =	vld [tilespmem:s30+$0x4050];
	_ =	sdelay $0x4  }
0x4f: {  	v1 =	vadd.f32 v2, v1;
	_ =	sdelay $0x1  }
0x50: {  	[tilespmem:v0+s30+$0xFFFFFFE0 ss:$0x1] =	vst.idx.msk $0xffff, v1  }
0x51: {  	v1 =	vld [tilespmem:s30+$0x60]  }
0x52: {  	v2 =	vld [tilespmem:s30+$0x4060];
	_ =	sdelay $0x3  }
0x53: {  	p1 =	por !p1, p0;
	s31 =	simm.s32 $0x0  }
0x54: {  	s31 =	simm.s32 @p1 $0x1;
	s11 =	sadd.s32 @!p2 $0x1, s24;
	v1 =	vadd.f32 v2, v1  }
0x55: {  	s0 =	smov.u32 s24;
	s31 =	simm.s32 @p0 $0x0;
	s24 =	smov.u32 @p1 s11  }
0x56: {  	s24 =	smov.u32 @p0 s0;
	s0 =	sor.u32 $0x8200, s2;
	s2 =	simm.s32 $0x200;
	[tilespmem:v0+s30+$0xFFFFFFF0 ss:$0x1] =	vst.idx.msk $0xffff, v1  }
.LBB2_3:
0x57: {  	p1 =	sne.s32 s2, $0xFE00;
	v1 =	vld [tilespmem:s30+$0x70];
	s11 =	smov.u32 s2;
	s2 =	sadd.s32 $0x200, s2  }
0x58: {  	v2 =	vld [tilespmem:s30+$0x4070];
	_ =	sdelay $0x4  }
0x59: {  	v1 =	vadd.f32 v2, v1;
	_ =	sdelay $0x1  }
0x5a: {  	[tilespmem:v0+s30+$0x0 ss:$0x1] =	vst.idx.msk $0xffff, v1;
	s30 =	sshra.s32 s11, $0x2  }
0x5b: {  	v1 =	vld [tilespmem:s30+$0x0]  }
0x5c: {  	v2 =	vld [tilespmem:s30+$0x4000];
	_ =	sdelay $0x4  }
0x5d: {  	v1 =	vadd.f32 v2, v1;
	_ =	sdelay $0x1  }
0x5e: {  	[tilespmem:v0+s30+$0xFFFFFF90 ss:$0x1] =	vst.idx.msk $0xffff, v1  }
0x5f: {  	v1 =	vld [tilespmem:s30+$0x10]  }
0x60: {  	v2 =	vld [tilespmem:s30+$0x4010];
	_ =	sdelay $0x4  }
0x61: {  	v1 =	vadd.f32 v2, v1;
	_ =	sdelay $0x1  }
0x62: {  	[tilespmem:v0+s30+$0xFFFFFFA0 ss:$0x1] =	vst.idx.msk $0xffff, v1  }
0x63: {  	v1 =	vld [tilespmem:s30+$0x20]  }
0x64: {  	v2 =	vld [tilespmem:s30+$0x4020];
	_ =	sdelay $0x4  }
0x65: {  	v1 =	vadd.f32 v2, v1;
	_ =	sdelay $0x1  }
0x66: {  	[tilespmem:v0+s30+$0xFFFFFFB0 ss:$0x1] =	vst.idx.msk $0xffff, v1  }
0x67: {  	v1 =	vld [tilespmem:s30+$0x30]  }
0x68: {  	v2 =	vld [tilespmem:s30+$0x4030];
	_ =	sdelay $0x4  }
0x69: {  	v1 =	vadd.f32 v2, v1;
	_ =	sdelay $0x1  }
0x6a: {  	[tilespmem:v0+s30+$0xFFFFFFC0 ss:$0x1] =	vst.idx.msk $0xffff, v1  }
0x6b: {  	v1 =	vld [tilespmem:s30+$0x40]  }
0x6c: {  	v2 =	vld [tilespmem:s30+$0x4040];
	_ =	sdelay $0x4  }
0x6d: {  	v1 =	vadd.f32 v2, v1;
	_ =	sdelay $0x1  }
0x6e: {  	[tilespmem:v0+s30+$0xFFFFFFD0 ss:$0x1] =	vst.idx.msk $0xffff, v1  }
0x6f: {  	v1 =	vld [tilespmem:s30+$0x50]  }
0x70: {  	v2 =	vld [tilespmem:s30+$0x4050];
	_ =	sdelay $0x4  }
0x71: {  	v1 =	vadd.f32 v2, v1;
	_ =	sdelay $0x1  }
0x72: {  	[tilespmem:v0+s30+$0xFFFFFFE0 ss:$0x1] =	vst.idx.msk $0xffff, v1  }
0x73: {  	v1 =	vld [tilespmem:s30+$0x60]  }
0x74: {  	v2 =	vld [tilespmem:s30+$0x4060];
	_ =	sdelay $0x2  }
.Ltmp0:
0x75: {  	(pc) =	sbr.rel @p1 .LBB2_3-.Ltmp0, $3  }
0x76: {  	_ = 	snop  }
0x77: {  	v1 =	vadd.f32 v2, v1;
	_ =	sdelay $0x1  }
0x78: {  	[tilespmem:v0+s30+$0xFFFFFFF0 ss:$0x1] =	vst.idx.msk $0xffff, v1  }
0x79: {  	v1 =	vld [tilespmem:s30+$0x70]  }
0x7a: {  	v2 =	vld [tilespmem:s30+$0x4070];
	_ =	sdelay $0x3  }
0x7b: {  	p1 =	sne.s32 s28, s26  }
0x7c: {  	p0 =	por p0, p1;
	v1 =	vadd.f32 v2, v1  }
0x7d: {  	s2 =	sadd.s32 @p0 s5, s28  }
0x7e: {  	p1 =	seq.s32 s25, $0x0;
	s28 =	simm.s32 @p0 $0x400;
	s2 =	sshll.u32 @p0 s2, $0x7;
	[tilespmem:v0+s30+$0x0 ss:$0x1] =	vst.idx.msk $0xffff, v1  }
0x7f: {  	s11 =	sadd.s32 @p0 $0x7, s29;
	s2 =	sand.u32 @p0 $0x1FFFFF80, s2;
	_ =	strace $0x9000004D  }
0x80: {  	s29 =	simm.s32 @p0 $0x2000;
	s2 =	sadd.s32 @p0 s1, s2;
	_ =	strace @p0 $0x8000004E  }
0x81: {  	[hbm4b:s2+s28] =	stream.strided.scatter @p0 [tilespmem:s0], [sflag:s11], $0x4000, s29, s28, $0x200038;
	[tilespmem:$0x10200] =	vst v63  }
0x82: {  	s0 =	sand.u32 @!p1 $0x1, s19;
	_ =	strace @p0 $0x9000004E  }
0x83: {  	s0 =	sadd.s32 @!p1 $0x7, s0;
	_ =	strace @!p1 $0x8000004F  }
0x84: {  	s2 =	simm.s32 $0x1;
	_ =	swait.ge @!p1 [sflag:s0], $0x4000  }
0x85: {  	s2 =	simm.s32 @!p0 $0x0;
	p0 =	sne.s32 s25, $0x0;
	[sflag:s0] =	ssyncset.done @!p1 $0x0  }
0x86: {  	s25 =	sadd.s32 $0x1, s25;
	[sflag:s0] =	ssyncadd.s32 @!p1 $0xFFFFC000;
	s0 =	simm.s32 $0x1  }
0x87: {  	s0 =	simm.s32 @!p0 $0x0;
	p0 =	sne.s32 s25, $0x8  }
.Ltmp1:
0x88: {  	_ = 	snop;
	(pc) =	sbr.rel @p0 .LBB2_2-.Ltmp1, $4  }
0x89: {  	_ = 	snop  }
0x8a: {  	s22 =	sadd.s32 s22, s31  }
0x8b: {  	s28 =	smov.u32 s26;
	s20 =	sadd.s32 s2, s20;
	s23 =	sadd.s32 s2, s23  }
0x8c: {  	s21 =	sadd.s32 s2, s21;
	_ =	strace @!p1 $0x9000004F;
	s19 =	sadd.s32 s0, s19  }
0x8d: {  	s18 =	sadd.s32 $0x1, s18  }
0x8e: {  	p0 =	sne.s32 s18, s10  }
.Ltmp2:
0x8f: {  	_ =	strace $0x80000050;
	(pc) =	sbr.rel @p0 .LBB2_1-.Ltmp2, $4  }
0x90: {  	_ =	swait.ge [sflag:s17], $0x4000  }
0x91: {  	[sflag:s17] =	ssyncset.done $0x0  }
0x92: {  	[sflag:s17] =	ssyncadd.s32 $0xFFFFC000  }
0x93: {  	_ =	strace $0x90000050  }
0x94: {  	_ =	sfence.sel $0x180000  }
0x95: {  	[bflag:$0x0] =	sbarrier.arrive $0xFFFF  }
0x96: {  	_ =	strace $0x90000047  }
0x97: {  	s0 =	stileid.u32;
	[bflag:$0x2] =	sbarrier.arrive $0xFFFF  }
0x98: {  	p0 =	sne.s32 s0, $0x0;
	s0 =	rddreg [dreg:$0x2]  }
0x99: {  	s0 =	sadd.s32 @!p0 $0x100000, s0  }
0x9a: {  	[sflag:s0] =	ssyncadd.tile.s32 @!p0 $0x1;
	_ =	shalt  }
.Lfunc_end2:
_tile_overlayer_lowered:
.L_overlay_start_2:
0x9b: {  	(tag) =	ssettag $0x2  }
0x9c: {  	s0 =	rddreg [dreg:$0x0];
	s2 =	stileid.u32  }
0x9d: {  	s1 =	rddreg [dreg:$0x1];
	p0 =	sne.s32 s2, $0x0  }
0x9e: {  	s3 =	rddreg [dreg:$0x2];
	[bflag:$0x3] =	sbarrier.arrive $0xFFFF;
	s2 =	simm.s32 @!p0 $0x1C03  }
0x9f: {  	[timem:s3], [sflag:s2] =	dma.local @!p0 [hbm:s0], s1  }
0xa0: {  	s0 =	simm.s32 @!p0 $0x3  }
0xa1: {  	_ =	swait.ge @!p0 [sflag:s0], s1  }
0xa2: {  	s1 =	ssub.s32 @!p0 $0x0, s1;
	[sflag:s0] =	ssyncset.done @!p0 $0x0  }
0xa3: {  	[sflag:s0] =	ssyncadd.s32 @!p0 s1  }
0xa4: {  	[bflag:$0x3] =	sbarrier.arrive $0xFFFF  }
0xa5: {  	_ =	shalt  }

</sc_bundles>
